<compile_context>
chip_gen: v7x
topology: tpu7x:2x2x1
jax: 0.10.2.dev20260603
libtpu: 0.0.44.dev20260713+nightly
codegen_flags: <defaults>
</compile_context>

<pallas_src>
import functools
import jax
import jax.numpy as jnp
from jax import lax
from jax.experimental import pallas as pl
from jax.experimental.pallas import tpu as pltpu
from jax.experimental.pallas import tpu_sc as plsc

DMAX = 16
NB = 8
CW = 64
L = 16


def kernel(x, delays):
    B, T, C = x.shape
    Tp = T + DMAX
    CH = Tp // NB
    d32 = delays.astype(jnp.int32)
    mesh = plsc.VectorSubcoreMesh(core_axis_name="c", subcore_axis_name="s")

    @functools.partial(
        pl.kernel,
        out_type=jax.ShapeDtypeStruct((B, Tp, C), x.dtype),
        mesh=mesh,
        scratch_types=[
            pltpu.VMEM((CH + DMAX, CW), jnp.float32),
            pltpu.VMEM((CH, CW), jnp.float32),
            pltpu.VMEM((C,), jnp.int32),
            pltpu.SemaphoreType.DMA,
        ],
        compiler_params=pltpu.CompilerParams(
            use_tc_tiling_on_sc=False, needs_layout_passes=False),
    )
    def sc_kernel(x_hbm, d_hbm, o_hbm, zbuf, obuf, dbuf, sem):
        wid = lax.axis_index("s") * 2 + lax.axis_index("c")
        b = wid // NB
        tc = wid % NB
        t0 = tc * CH
        pltpu.sync_copy(d_hbm, dbuf)

        @pl.loop(0, C // CW)
        def _(ci):
            c0 = ci * CW

            @pl.when(tc == 0)
            def _():
                @pl.loop(0, DMAX)
                def _(r):
                    for g in range(CW // L):
                        zbuf[r, pl.ds(g * L, L)] = jnp.zeros((L,), jnp.float32)
                pltpu.async_copy(
                    x_hbm.at[b, pl.ds(0, CH), pl.ds(c0, CW)],
                    zbuf.at[pl.ds(DMAX, CH)], sem).wait()

            @pl.when(tc == NB - 1)
            def _():
                @pl.loop(CH, CH + DMAX)
                def _(r):
                    for g in range(CW // L):
                        zbuf[r, pl.ds(g * L, L)] = jnp.zeros((L,), jnp.float32)
                pltpu.async_copy(
                    x_hbm.at[b, pl.ds(T - CH, CH), pl.ds(c0, CW)],
                    zbuf.at[pl.ds(0, CH)], sem).wait()

            @pl.when(jnp.logical_and(tc > 0, tc < NB - 1))
            def _():
                pltpu.async_copy(
                    x_hbm.at[b, pl.ds(t0 - DMAX, CH + DMAX), pl.ds(c0, CW)],
                    zbuf, sem).wait()

            for g in range(CW // L):
                base = DMAX - dbuf[pl.ds(c0 + g * L, L)]
                col = lax.iota(jnp.int32, L) + g * L

                @pl.loop(0, CH)
                def _(i, base=base, col=col, g=g):
                    v = plsc.load_gather(zbuf, [base + i, col])
                    obuf[i, pl.ds(g * L, L)] = v

            pltpu.async_copy(
                obuf, o_hbm.at[b, pl.ds(t0, CH), pl.ds(c0, CW)], sem).wait()

    return sc_kernel(x, d32)

# --- scband reference (transcript-rebuilt; emitter-appended) ---
"""Pipeline reference for scband-delay-14439680049306 (READ-ONLY COPY).

The authoritative reference and input builder live on the scoring server;
editing this copy changes nothing except your own understanding.
"""

import jax, jax.numpy as jnp
import numpy as np

DELAY_MAX = 16
N_INPUT = 1024

def setup_inputs(seed: int = 0) -> dict:
    key = jax.random.key(seed)
    kx, kd = jax.random.split(key)
    x = jax.random.normal(kx, (4, 4096, N_INPUT), dtype=jnp.float32)
    delays = jax.random.randint(kd, (N_INPUT,), 0, DELAY_MAX + 1, dtype=jnp.int32).astype(jnp.int64)
    return {"x": x, "delays": delays}

def reference(x, delays):
    B, T, C = x.shape
    # F.pad(x, (0, 0, 0, delay_max)): pad time dim (second-to-last) at the end with zeros
    xp = jnp.pad(x, ((0, 0), (0, DELAY_MAX), (0, 0)))
    Tp = T + DELAY_MAX
    # roll per channel: indices[t, c] = (t - delays[c]) mod Tp, gather along time axis
    indices = (jnp.arange(Tp)[:, None] - delays[None, :]) % Tp  # [Tp, C]
    idx = jnp.broadcast_to(indices[None, :, :], (B, Tp, C))
    out = jnp.take_along_axis(xp, idx, axis=1)
    return out

if __name__ == "__main__":
    import jax
    _d = setup_inputs()
    print(jax.jit(kernel)(*tuple(_d.values())))

</pallas_src>

<mosaic_0001>
#map = affine_map<(d0, d1) -> (0, 0, 0)>
#map1 = affine_map<(d0, d1) -> (0)>
module attributes {stable_mosaic.version = 14 : i64} {
  func.func @sc_kernel(%arg0: i32, %arg1: i32, %arg2: memref<4x4096x1024xf32, #tpu.memory_space<hbm>>, %arg3: memref<1024xi32, #tpu.memory_space<hbm>>, %arg4: memref<4x4112x1024xf32, #tpu.memory_space<hbm>>, %arg5: memref<530x64xf32, #tpu.memory_space<vmem>>, %arg6: memref<514x64xf32, #tpu.memory_space<vmem>>, %arg7: memref<1024xi32, #tpu.memory_space<vmem>>, %arg8: memref<!tpu.dma_semaphore, #tpu.memory_space<semaphore_mem>>) attributes {dimension_semantics = [#tpu.dimension_semantics<core_parallel>, #tpu.dimension_semantics<subcore_parallel>], iteration_bounds = array<i64: 2, 16>, scalar_prefetch = 0 : i64, scratch_operands = 4 : i64, tpu.core_type = #tpu.core_type<sc_vector_subcore>, window_params = [{transform_indices = #map}, {transform_indices = #map1}, {transform_indices = #map}]} {
    %mul3A = arith.constant 2 : i32
    %mul3A_0 = arith.muli %arg1, %mul3A : i32
    %add3A = arith.addi %mul3A_0, %arg0 : i32
    %jit3A = arith.constant 8 : i32
    %div3A = arith.divsi %add3A, %jit3A : i32
    %sign3A = arith.constant 0 : i32
    %sign3A_1 = arith.cmpi sgt, %add3A, %sign3A : i32
    %sign3A_2 = arith.extui %sign3A_1 : i1 to i32
    %sign3A_3 = arith.constant 0 : i32
    %sign3A_4 = arith.cmpi slt, %add3A, %sign3A_3 : i32
    %sign3A_5 = arith.extui %sign3A_4 : i1 to i32
    %sign3A_6 = arith.subi %sign3A_2, %sign3A_5 : i32
    %sign3A_7 = arith.constant 0 : i32
    %sign3A_8 = arith.cmpi sgt, %jit3A, %sign3A_7 : i32
    %sign3A_9 = arith.extui %sign3A_8 : i1 to i32
    %sign3A_10 = arith.constant 0 : i32
    %sign3A_11 = arith.cmpi slt, %jit3A, %sign3A_10 : i32
    %sign3A_12 = arith.extui %sign3A_11 : i1 to i32
    %sign3A_13 = arith.subi %sign3A_9, %sign3A_12 : i32
    %ne3A = arith.cmpi ne, %sign3A_6, %sign3A_13 : i32
    %rem3A = arith.remsi %add3A, %jit3A : i32
    %ne3A_14 = arith.constant 0 : i32
    %ne3A_15 = arith.cmpi ne, %rem3A, %ne3A_14 : i32
    %and3A = arith.andi %ne3A, %ne3A_15 : i1
    %sub3A = arith.constant 1 : i32
    %sub3A_16 = arith.subi %div3A, %sub3A : i32
    %select_n3A = arith.select %and3A, %sub3A_16, %div3A : i32
    %jit3A_17 = arith.constant 8 : i32
    %eq3A = arith.constant 0 : i32
    %eq3A_18 = arith.cmpi eq, %jit3A_17, %eq3A : i32
    %jit3A_19 = arith.constant 1 : i32
    %select_n3A_20 = arith.select %eq3A_18, %jit3A_19, %jit3A_17 : i32
    %rem3A_21 = arith.remsi %add3A, %select_n3A_20 : i32
    %ne3A_22 = arith.constant 0 : i32
    %ne3A_23 = arith.cmpi ne, %rem3A_21, %ne3A_22 : i32
    %lt3A = arith.constant 0 : i32
    %lt3A_24 = arith.cmpi slt, %rem3A_21, %lt3A : i32
    %lt3A_25 = arith.constant 0 : i32
    %lt3A_26 = arith.cmpi slt, %select_n3A_20, %lt3A_25 : i32
    %ne3A_27 = arith.xori %lt3A_24, %lt3A_26 : i1
    %and3A_28 = arith.andi %ne3A_27, %ne3A_23 : i1
    %add3A_29 = arith.addi %rem3A_21, %select_n3A_20 : i32
    %select_n3A_30 = arith.select %and3A_28, %add3A_29, %rem3A_21 : i32
    %mul3A_31 = arith.constant 514 : i32
    %mul3A_32 = arith.muli %select_n3A_30, %mul3A_31 : i32
    "tpu.region"() ({
      %run_scoped3A = tpu.sem_alloc : memref<!tpu.dma_semaphore, #tpu.memory_space<semaphore_mem>>
      tpu.enqueue_dma source(%arg3 : memref<1024xi32, #tpu.memory_space<hbm>>) target(%arg7 : memref<1024xi32, #tpu.memory_space<vmem>>) target_semaphore(%run_scoped3A : memref<!tpu.dma_semaphore, #tpu.memory_space<semaphore_mem>>)
      tpu.wait_dma2 semaphore(%run_scoped3A : memref<!tpu.dma_semaphore, #tpu.memory_space<semaphore_mem>>) src(%arg3 : memref<1024xi32, #tpu.memory_space<hbm>>) dst(%arg7 : memref<1024xi32, #tpu.memory_space<vmem>>)
      tpu.yield
    }) : () -> ()
    %scan3A = arith.constant 0 : i32
    %scan3A_33 = arith.constant 16 : i32
    %scan3A_34 = arith.addi %scan3A, %scan3A_33 : i32
    %scan3A_35 = arith.constant 1 : i32
    scf.for %scan3A_37 = %scan3A to %scan3A_34 step %scan3A_35  : i32 {
      %mul3A_38 = arith.constant 1 : i32
      %mul3A_39 = arith.muli %scan3A_37, %mul3A_38 : i32
      %add3A_40 = arith.constant 0 : i32
      %add3A_41 = arith.addi %add3A_40, %mul3A_39 : i32
      %mul3A_42 = arith.constant 64 : i32
      %mul3A_43 = arith.muli %add3A_41, %mul3A_42 : i32
      %eq3A_44 = arith.constant 0 : i32
      %eq3A_45 = arith.cmpi eq, %select_n3A_30, %eq3A_44 : i32
      %convert_element_type3A = arith.extui %eq3A_45 : i1 to i32
      %cond3A = arith.constant 0 : i32
      %cond3A_46 = arith.cmpi ne, %convert_element_type3A, %cond3A : i32
      scf.if %cond3A_46 {
        %scan3A_127 = arith.constant 0 : i32
        %scan3A_128 = arith.constant 16 : i32
        %scan3A_129 = arith.addi %scan3A_127, %scan3A_128 : i32
        %scan3A_130 = arith.constant 1 : i32
        scf.for %scan3A_156 = %scan3A_127 to %scan3A_129 step %scan3A_130  : i32 {
          %mul3A_157 = arith.constant 1 : i32
          %mul3A_158 = arith.muli %scan3A_156, %mul3A_157 : i32
          %add3A_159 = arith.constant 0 : i32
          %add3A_160 = arith.addi %add3A_159, %mul3A_158 : i32
          %broadcast_in_dim3A = arith.constant 0.000000e+00 : f32
          %broadcast_in_dim3A_161 = vector.broadcast %broadcast_in_dim3A : f32 to vector<16xf32>
          %swap3A = arith.index_cast %add3A_160 : i32 to index
          %swap3A_162 = arith.constant 0 : index
          %swap3A_163 = tpu.vector_load %arg5[%swap3A, %swap3A_162] {strides = array<i32>} : memref<530x64xf32, #tpu.memory_space<vmem>>, vector<16xf32>,
          tpu.vector_store %arg5[%swap3A, %swap3A_162], %broadcast_in_dim3A_161 {strides = array<i32>} : memref<530x64xf32, #tpu.memory_space<vmem>>, vector<16xf32>,
          %broadcast_in_dim3A_164 = arith.constant 0.000000e+00 : f32
          %broadcast_in_dim3A_165 = vector.broadcast %broadcast_in_dim3A_164 : f32 to vector<16xf32>
          %swap3A_166 = arith.index_cast %add3A_160 : i32 to index
          %swap3A_167 = arith.constant 16 : index
          %swap3A_168 = tpu.vector_load %arg5[%swap3A_166, %swap3A_167] {strides = array<i32>} : memref<530x64xf32, #tpu.memory_space<vmem>>, vector<16xf32>,
          tpu.vector_store %arg5[%swap3A_166, %swap3A_167], %broadcast_in_dim3A_165 {strides = array<i32>} : memref<530x64xf32, #tpu.memory_space<vmem>>, vector<16xf32>,
          %broadcast_in_dim3A_169 = arith.constant 0.000000e+00 : f32
          %broadcast_in_dim3A_170 = vector.broadcast %broadcast_in_dim3A_169 : f32 to vector<16xf32>
          %swap3A_171 = arith.index_cast %add3A_160 : i32 to index
          %swap3A_172 = arith.constant 32 : index
          %swap3A_173 = tpu.vector_load %arg5[%swap3A_171, %swap3A_172] {strides = array<i32>} : memref<530x64xf32, #tpu.memory_space<vmem>>, vector<16xf32>,
          tpu.vector_store %arg5[%swap3A_171, %swap3A_172], %broadcast_in_dim3A_170 {strides = array<i32>} : memref<530x64xf32, #tpu.memory_space<vmem>>, vector<16xf32>,
          %broadcast_in_dim3A_174 = arith.constant 0.000000e+00 : f32
          %broadcast_in_dim3A_175 = vector.broadcast %broadcast_in_dim3A_174 : f32 to vector<16xf32>
          %swap3A_176 = arith.index_cast %add3A_160 : i32 to index
          %swap3A_177 = arith.constant 48 : index
          %swap3A_178 = tpu.vector_load %arg5[%swap3A_176, %swap3A_177] {strides = array<i32>} : memref<530x64xf32, #tpu.memory_space<vmem>>, vector<16xf32>,
          tpu.vector_store %arg5[%swap3A_176, %swap3A_177], %broadcast_in_dim3A_175 {strides = array<i32>} : memref<530x64xf32, #tpu.memory_space<vmem>>, vector<16xf32>,
        }
        %scan3A_131 = arith.constant 16 : i32
        %dma_start3A_132 = arith.constant 16 : i32
        %dma_start3A_133 = arith.constant 0 : i32
        %dma_start3A_134 = tpu.memref_slice %arg5[%dma_start3A_132, %dma_start3A_133] : memref<530x64xf32, #tpu.memory_space<vmem>> -> memref<514x64xf32, #tpu.memory_space<vmem>>
        %dma_start3A_135 = arith.constant 0 : i32
        %dma_start3A_136 = tpu.memref_slice %arg2[%select_n3A, %dma_start3A_135, %mul3A_43] : memref<4x4096x1024xf32, #tpu.memory_space<hbm>> -> memref<1x514x64xf32, #tpu.memory_space<hbm>>
        %dma_start3A_137 = tpu.memref_squeeze %dma_start3A_136 : memref<1x514x64xf32, #tpu.memory_space<hbm>> -> memref<514x64xf32, #tpu.memory_space<hbm>>
        %dma_start3A_138 = arith.constant 16 : i32
        %dma_start3A_139 = arith.constant 0 : i32
        %dma_start3A_140 = tpu.memref_slice %arg5[%dma_start3A_138, %dma_start3A_139] : memref<530x64xf32, #tpu.memory_space<vmem>> -> memref<514x64xf32, #tpu.memory_space<vmem>>
        %dma_start3A_141 = arith.constant 0 : i32
        %dma_start3A_142 = tpu.memref_slice %arg2[%select_n3A, %dma_start3A_141, %mul3A_43] : memref<4x4096x1024xf32, #tpu.memory_space<hbm>> -> memref<1x514x64xf32, #tpu.memory_space<hbm>>
        %dma_start3A_143 = tpu.memref_squeeze %dma_start3A_142 : memref<1x514x64xf32, #tpu.memory_space<hbm>> -> memref<514x64xf32, #tpu.memory_space<hbm>>
        tpu.enqueue_dma source(%dma_start3A_143 : memref<514x64xf32, #tpu.memory_space<hbm>>) target(%dma_start3A_140 : memref<514x64xf32, #tpu.memory_space<vmem>>) target_semaphore(%arg8 : memref<!tpu.dma_semaphore, #tpu.memory_space<semaphore_mem>>)
        %dma_wait3A_144 = arith.constant 16 : i32
        %dma_wait3A_145 = arith.constant 0 : i32
        %dma_wait3A_146 = tpu.memref_slice %arg5[%dma_wait3A_144, %dma_wait3A_145] : memref<530x64xf32, #tpu.memory_space<vmem>> -> memref<514x64xf32, #tpu.memory_space<vmem>>
        %dma_wait3A_147 = arith.constant 0 : i32
        %dma_wait3A_148 = tpu.memref_slice %arg2[%select_n3A, %dma_wait3A_147, %mul3A_43] : memref<4x4096x1024xf32, #tpu.memory_space<hbm>> -> memref<1x514x64xf32, #tpu.memory_space<hbm>>
        %dma_wait3A_149 = tpu.memref_squeeze %dma_wait3A_148 : memref<1x514x64xf32, #tpu.memory_space<hbm>> -> memref<514x64xf32, #tpu.memory_space<hbm>>
        %dma_wait3A_150 = arith.constant 16 : i32
        %dma_wait3A_151 = arith.constant 0 : i32
        %dma_wait3A_152 = tpu.memref_slice %arg5[%dma_wait3A_150, %dma_wait3A_151] : memref<530x64xf32, #tpu.memory_space<vmem>> -> memref<514x64xf32, #tpu.memory_space<vmem>>
        %dma_wait3A_153 = arith.constant 0 : i32
        %dma_wait3A_154 = tpu.memref_slice %arg2[%select_n3A, %dma_wait3A_153, %mul3A_43] : memref<4x4096x1024xf32, #tpu.memory_space<hbm>> -> memref<1x514x64xf32, #tpu.memory_space<hbm>>
        %dma_wait3A_155 = tpu.memref_squeeze %dma_wait3A_154 : memref<1x514x64xf32, #tpu.memory_space<hbm>> -> memref<514x64xf32, #tpu.memory_space<hbm>>
        tpu.wait_dma2 semaphore(%arg8 : memref<!tpu.dma_semaphore, #tpu.memory_space<semaphore_mem>>) src(%dma_wait3A_155 : memref<514x64xf32, #tpu.memory_space<hbm>>) dst(%dma_wait3A_152 : memref<514x64xf32, #tpu.memory_space<vmem>>)
      } else {
      }
      %eq3A_47 = arith.constant 7 : i32
      %eq3A_48 = arith.cmpi eq, %select_n3A_30, %eq3A_47 : i32
      %convert_element_type3A_49 = arith.extui %eq3A_48 : i1 to i32
      %cond3A_50 = arith.constant 0 : i32
      %cond3A_51 = arith.cmpi ne, %convert_element_type3A_49, %cond3A_50 : i32
      scf.if %cond3A_51 {
        %scan3A_127 = arith.constant 0 : i32
        %scan3A_128 = arith.constant 16 : i32
        %scan3A_129 = arith.addi %scan3A_127, %scan3A_128 : i32
        %scan3A_130 = arith.constant 1 : i32
        scf.for %scan3A_156 = %scan3A_127 to %scan3A_129 step %scan3A_130  : i32 {
          %mul3A_157 = arith.constant 1 : i32
          %mul3A_158 = arith.muli %scan3A_156, %mul3A_157 : i32
          %add3A_159 = arith.constant 514 : i32
          %add3A_160 = arith.addi %add3A_159, %mul3A_158 : i32
          %broadcast_in_dim3A = arith.constant 0.000000e+00 : f32
          %broadcast_in_dim3A_161 = vector.broadcast %broadcast_in_dim3A : f32 to vector<16xf32>
          %swap3A = arith.index_cast %add3A_160 : i32 to index
          %swap3A_162 = arith.constant 0 : index
          %swap3A_163 = tpu.vector_load %arg5[%swap3A, %swap3A_162] {strides = array<i32>} : memref<530x64xf32, #tpu.memory_space<vmem>>, vector<16xf32>,
          tpu.vector_store %arg5[%swap3A, %swap3A_162], %broadcast_in_dim3A_161 {strides = array<i32>} : memref<530x64xf32, #tpu.memory_space<vmem>>, vector<16xf32>,
          %broadcast_in_dim3A_164 = arith.constant 0.000000e+00 : f32
          %broadcast_in_dim3A_165 = vector.broadcast %broadcast_in_dim3A_164 : f32 to vector<16xf32>
          %swap3A_166 = arith.index_cast %add3A_160 : i32 to index
          %swap3A_167 = arith.constant 16 : index
          %swap3A_168 = tpu.vector_load %arg5[%swap3A_166, %swap3A_167] {strides = array<i32>} : memref<530x64xf32, #tpu.memory_space<vmem>>, vector<16xf32>,
          tpu.vector_store %arg5[%swap3A_166, %swap3A_167], %broadcast_in_dim3A_165 {strides = array<i32>} : memref<530x64xf32, #tpu.memory_space<vmem>>, vector<16xf32>,
          %broadcast_in_dim3A_169 = arith.constant 0.000000e+00 : f32
          %broadcast_in_dim3A_170 = vector.broadcast %broadcast_in_dim3A_169 : f32 to vector<16xf32>
          %swap3A_171 = arith.index_cast %add3A_160 : i32 to index
          %swap3A_172 = arith.constant 32 : index
          %swap3A_173 = tpu.vector_load %arg5[%swap3A_171, %swap3A_172] {strides = array<i32>} : memref<530x64xf32, #tpu.memory_space<vmem>>, vector<16xf32>,
          tpu.vector_store %arg5[%swap3A_171, %swap3A_172], %broadcast_in_dim3A_170 {strides = array<i32>} : memref<530x64xf32, #tpu.memory_space<vmem>>, vector<16xf32>,
          %broadcast_in_dim3A_174 = arith.constant 0.000000e+00 : f32
          %broadcast_in_dim3A_175 = vector.broadcast %broadcast_in_dim3A_174 : f32 to vector<16xf32>
          %swap3A_176 = arith.index_cast %add3A_160 : i32 to index
          %swap3A_177 = arith.constant 48 : index
          %swap3A_178 = tpu.vector_load %arg5[%swap3A_176, %swap3A_177] {strides = array<i32>} : memref<530x64xf32, #tpu.memory_space<vmem>>, vector<16xf32>,
          tpu.vector_store %arg5[%swap3A_176, %swap3A_177], %broadcast_in_dim3A_175 {strides = array<i32>} : memref<530x64xf32, #tpu.memory_space<vmem>>, vector<16xf32>,
        }
        %scan3A_131 = arith.constant 16 : i32
        %dma_start3A_132 = arith.constant 0 : i32
        %dma_start3A_133 = arith.constant 0 : i32
        %dma_start3A_134 = tpu.memref_slice %arg5[%dma_start3A_132, %dma_start3A_133] : memref<530x64xf32, #tpu.memory_space<vmem>> -> memref<514x64xf32, #tpu.memory_space<vmem>>
        %dma_start3A_135 = arith.constant 3582 : i32
        %dma_start3A_136 = tpu.memref_slice %arg2[%select_n3A, %dma_start3A_135, %mul3A_43] : memref<4x4096x1024xf32, #tpu.memory_space<hbm>> -> memref<1x514x64xf32, #tpu.memory_space<hbm>>
        %dma_start3A_137 = tpu.memref_squeeze %dma_start3A_136 : memref<1x514x64xf32, #tpu.memory_space<hbm>> -> memref<514x64xf32, #tpu.memory_space<hbm>>
        %dma_start3A_138 = arith.constant 0 : i32
        %dma_start3A_139 = arith.constant 0 : i32
        %dma_start3A_140 = tpu.memref_slice %arg5[%dma_start3A_138, %dma_start3A_139] : memref<530x64xf32, #tpu.memory_space<vmem>> -> memref<514x64xf32, #tpu.memory_space<vmem>>
        %dma_start3A_141 = arith.constant 3582 : i32
        %dma_start3A_142 = tpu.memref_slice %arg2[%select_n3A, %dma_start3A_141, %mul3A_43] : memref<4x4096x1024xf32, #tpu.memory_space<hbm>> -> memref<1x514x64xf32, #tpu.memory_space<hbm>>
        %dma_start3A_143 = tpu.memref_squeeze %dma_start3A_142 : memref<1x514x64xf32, #tpu.memory_space<hbm>> -> memref<514x64xf32, #tpu.memory_space<hbm>>
        tpu.enqueue_dma source(%dma_start3A_143 : memref<514x64xf32, #tpu.memory_space<hbm>>) target(%dma_start3A_140 : memref<514x64xf32, #tpu.memory_space<vmem>>) target_semaphore(%arg8 : memref<!tpu.dma_semaphore, #tpu.memory_space<semaphore_mem>>)
        %dma_wait3A_144 = arith.constant 0 : i32
        %dma_wait3A_145 = arith.constant 0 : i32
        %dma_wait3A_146 = tpu.memref_slice %arg5[%dma_wait3A_144, %dma_wait3A_145] : memref<530x64xf32, #tpu.memory_space<vmem>> -> memref<514x64xf32, #tpu.memory_space<vmem>>
        %dma_wait3A_147 = arith.constant 3582 : i32
        %dma_wait3A_148 = tpu.memref_slice %arg2[%select_n3A, %dma_wait3A_147, %mul3A_43] : memref<4x4096x1024xf32, #tpu.memory_space<hbm>> -> memref<1x514x64xf32, #tpu.memory_space<hbm>>
        %dma_wait3A_149 = tpu.memref_squeeze %dma_wait3A_148 : memref<1x514x64xf32, #tpu.memory_space<hbm>> -> memref<514x64xf32, #tpu.memory_space<hbm>>
        %dma_wait3A_150 = arith.constant 0 : i32
        %dma_wait3A_151 = arith.constant 0 : i32
        %dma_wait3A_152 = tpu.memref_slice %arg5[%dma_wait3A_150, %dma_wait3A_151] : memref<530x64xf32, #tpu.memory_space<vmem>> -> memref<514x64xf32, #tpu.memory_space<vmem>>
        %dma_wait3A_153 = arith.constant 3582 : i32
        %dma_wait3A_154 = tpu.memref_slice %arg2[%select_n3A, %dma_wait3A_153, %mul3A_43] : memref<4x4096x1024xf32, #tpu.memory_space<hbm>> -> memref<1x514x64xf32, #tpu.memory_space<hbm>>
        %dma_wait3A_155 = tpu.memref_squeeze %dma_wait3A_154 : memref<1x514x64xf32, #tpu.memory_space<hbm>> -> memref<514x64xf32, #tpu.memory_space<hbm>>
        tpu.wait_dma2 semaphore(%arg8 : memref<!tpu.dma_semaphore, #tpu.memory_space<semaphore_mem>>) src(%dma_wait3A_155 : memref<514x64xf32, #tpu.memory_space<hbm>>) dst(%dma_wait3A_152 : memref<514x64xf32, #tpu.memory_space<vmem>>)
      } else {
      }
      %gt3A = arith.constant 0 : i32
      %gt3A_52 = arith.cmpi sgt, %select_n3A_30, %gt3A : i32
      %lt3A_53 = arith.constant 7 : i32
      %lt3A_54 = arith.cmpi slt, %select_n3A_30, %lt3A_53 : i32
      %and3A_55 = arith.andi %gt3A_52, %lt3A_54 : i1
      %convert_element_type3A_56 = arith.extui %and3A_55 : i1 to i32
      %cond3A_57 = arith.constant 0 : i32
      %cond3A_58 = arith.cmpi ne, %convert_element_type3A_56, %cond3A_57 : i32
      scf.if %cond3A_58 {
        %sub3A_127 = arith.constant 16 : i32
        %sub3A_128 = arith.subi %mul3A_32, %sub3A_127 : i32
        %dma_start3A_129 = tpu.memref_slice %arg2[%select_n3A, %sub3A_128, %mul3A_43] : memref<4x4096x1024xf32, #tpu.memory_space<hbm>> -> memref<1x530x64xf32, #tpu.memory_space<hbm>>
        %dma_start3A_130 = tpu.memref_squeeze %dma_start3A_129 : memref<1x530x64xf32, #tpu.memory_space<hbm>> -> memref<530x64xf32, #tpu.memory_space<hbm>>
        %dma_start3A_131 = tpu.memref_slice %arg2[%select_n3A, %sub3A_128, %mul3A_43] : memref<4x4096x1024xf32, #tpu.memory_space<hbm>> -> memref<1x530x64xf32, #tpu.memory_space<hbm>>
        %dma_start3A_132 = tpu.memref_squeeze %dma_start3A_131 : memref<1x530x64xf32, #tpu.memory_space<hbm>> -> memref<530x64xf32, #tpu.memory_space<hbm>>
        tpu.enqueue_dma source(%dma_start3A_132 : memref<530x64xf32, #tpu.memory_space<hbm>>) target(%arg5 : memref<530x64xf32, #tpu.memory_space<vmem>>) target_semaphore(%arg8 : memref<!tpu.dma_semaphore, #tpu.memory_space<semaphore_mem>>)
        %dma_wait3A_133 = tpu.memref_slice %arg2[%select_n3A, %sub3A_128, %mul3A_43] : memref<4x4096x1024xf32, #tpu.memory_space<hbm>> -> memref<1x530x64xf32, #tpu.memory_space<hbm>>
        %dma_wait3A_134 = tpu.memref_squeeze %dma_wait3A_133 : memref<1x530x64xf32, #tpu.memory_space<hbm>> -> memref<530x64xf32, #tpu.memory_space<hbm>>
        %dma_wait3A_135 = tpu.memref_slice %arg2[%select_n3A, %sub3A_128, %mul3A_43] : memref<4x4096x1024xf32, #tpu.memory_space<hbm>> -> memref<1x530x64xf32, #tpu.memory_space<hbm>>
        %dma_wait3A_136 = tpu.memref_squeeze %dma_wait3A_135 : memref<1x530x64xf32, #tpu.memory_space<hbm>> -> memref<530x64xf32, #tpu.memory_space<hbm>>
        tpu.wait_dma2 semaphore(%arg8 : memref<!tpu.dma_semaphore, #tpu.memory_space<semaphore_mem>>) src(%dma_wait3A_136 : memref<530x64xf32, #tpu.memory_space<hbm>>) dst(%arg5 : memref<530x64xf32, #tpu.memory_space<vmem>>)
      } else {
      }
      %add3A_59 = arith.constant 0 : i32
      %add3A_60 = arith.addi %mul3A_43, %add3A_59 : i32
      %get3A = arith.index_cast %add3A_60 : i32 to index
      %get3A_61 = tpu.vector_load %arg7[%get3A] {strides = array<i32>} : memref<1024xi32, #tpu.memory_space<vmem>>, vector<16xi32>,
      %sub3A_62 = arith.constant 16 : i32
      %sub3A_63 = vector.broadcast %sub3A_62 : i32 to vector<16xi32>
      %sub3A_64 = arith.subi %sub3A_63, %get3A_61 : vector<16xi32>
      %iota3A = tpu.iota {dimensions = array<i32: 0>} : vector<16xi32>
      %add3A_65 = arith.constant 0 : i32
      %add3A_66 = vector.broadcast %add3A_65 : i32 to vector<16xi32>
      %add3A_67 = arith.addi %iota3A, %add3A_66 : vector<16xi32>
      %scan3A_68 = arith.constant 0 : i32
      %scan3A_69 = arith.constant 514 : i32
      %scan3A_70 = arith.addi %scan3A_68, %scan3A_69 : i32
      %scan3A_71 = arith.constant 1 : i32
      scf.for %scan3A_127 = %scan3A_68 to %scan3A_70 step %scan3A_71  : i32 {
        %mul3A_128 = arith.constant 1 : i32
        %mul3A_129 = arith.muli %scan3A_127, %mul3A_128 : i32
        %add3A_130 = arith.constant 0 : i32
        %add3A_131 = arith.addi %add3A_130, %mul3A_129 : i32
        %add3A_132 = vector.broadcast %add3A_131 : i32 to vector<16xi32>
        %add3A_133 = arith.addi %sub3A_64, %add3A_132 : vector<16xi32>
        %gather3A = tpu.vector_load_idx %arg5[%add3A_133, %add3A_67] : memref<530x64xf32, #tpu.memory_space<vmem>>[vector<16xi32>, vector<16xi32>], vector<16xf32>,
        %swap3A = arith.index_cast %add3A_131 : i32 to index
        %swap3A_134 = arith.constant 0 : index
        %swap3A_135 = tpu.vector_load %arg6[%swap3A, %swap3A_134] {strides = array<i32>} : memref<514x64xf32, #tpu.memory_space<vmem>>, vector<16xf32>,
        tpu.vector_store %arg6[%swap3A, %swap3A_134], %gather3A {strides = array<i32>} : memref<514x64xf32, #tpu.memory_space<vmem>>, vector<16xf32>,
      }
      %scan3A_72 = arith.constant 514 : i32
      %add3A_73 = arith.constant 16 : i32
      %add3A_74 = arith.addi %mul3A_43, %add3A_73 : i32
      %get3A_75 = arith.index_cast %add3A_74 : i32 to index
      %get3A_76 = tpu.vector_load %arg7[%get3A_75] {strides = array<i32>} : memref<1024xi32, #tpu.memory_space<vmem>>, vector<16xi32>,
      %sub3A_77 = arith.constant 16 : i32
      %sub3A_78 = vector.broadcast %sub3A_77 : i32 to vector<16xi32>
      %sub3A_79 = arith.subi %sub3A_78, %get3A_76 : vector<16xi32>
      %iota3A_80 = tpu.iota {dimensions = array<i32: 0>} : vector<16xi32>
      %add3A_81 = arith.constant 16 : i32
      %add3A_82 = vector.broadcast %add3A_81 : i32 to vector<16xi32>
      %add3A_83 = arith.addi %iota3A_80, %add3A_82 : vector<16xi32>
      %scan3A_84 = arith.constant 0 : i32
      %scan3A_85 = arith.constant 514 : i32
      %scan3A_86 = arith.addi %scan3A_84, %scan3A_85 : i32
      %scan3A_87 = arith.constant 1 : i32
      scf.for %scan3A_127 = %scan3A_84 to %scan3A_86 step %scan3A_87  : i32 {
        %mul3A_128 = arith.constant 1 : i32
        %mul3A_129 = arith.muli %scan3A_127, %mul3A_128 : i32
        %add3A_130 = arith.constant 0 : i32
        %add3A_131 = arith.addi %add3A_130, %mul3A_129 : i32
        %add3A_132 = vector.broadcast %add3A_131 : i32 to vector<16xi32>
        %add3A_133 = arith.addi %sub3A_79, %add3A_132 : vector<16xi32>
        %gather3A = tpu.vector_load_idx %arg5[%add3A_133, %add3A_83] : memref<530x64xf32, #tpu.memory_space<vmem>>[vector<16xi32>, vector<16xi32>], vector<16xf32>,
        %swap3A = arith.index_cast %add3A_131 : i32 to index
        %swap3A_134 = arith.constant 16 : index
        %swap3A_135 = tpu.vector_load %arg6[%swap3A, %swap3A_134] {strides = array<i32>} : memref<514x64xf32, #tpu.memory_space<vmem>>, vector<16xf32>,
        tpu.vector_store %arg6[%swap3A, %swap3A_134], %gather3A {strides = array<i32>} : memref<514x64xf32, #tpu.memory_space<vmem>>, vector<16xf32>,
      }
      %scan3A_88 = arith.constant 514 : i32
      %add3A_89 = arith.constant 32 : i32
      %add3A_90 = arith.addi %mul3A_43, %add3A_89 : i32
      %get3A_91 = arith.index_cast %add3A_90 : i32 to index
      %get3A_92 = tpu.vector_load %arg7[%get3A_91] {strides = array<i32>} : memref<1024xi32, #tpu.memory_space<vmem>>, vector<16xi32>,
      %sub3A_93 = arith.constant 16 : i32
      %sub3A_94 = vector.broadcast %sub3A_93 : i32 to vector<16xi32>
      %sub3A_95 = arith.subi %sub3A_94, %get3A_92 : vector<16xi32>
      %iota3A_96 = tpu.iota {dimensions = array<i32: 0>} : vector<16xi32>
      %add3A_97 = arith.constant 32 : i32
      %add3A_98 = vector.broadcast %add3A_97 : i32 to vector<16xi32>
      %add3A_99 = arith.addi %iota3A_96, %add3A_98 : vector<16xi32>
      %scan3A_100 = arith.constant 0 : i32
      %scan3A_101 = arith.constant 514 : i32
      %scan3A_102 = arith.addi %scan3A_100, %scan3A_101 : i32
      %scan3A_103 = arith.constant 1 : i32
      scf.for %scan3A_127 = %scan3A_100 to %scan3A_102 step %scan3A_103  : i32 {
        %mul3A_128 = arith.constant 1 : i32
        %mul3A_129 = arith.muli %scan3A_127, %mul3A_128 : i32
        %add3A_130 = arith.constant 0 : i32
        %add3A_131 = arith.addi %add3A_130, %mul3A_129 : i32
        %add3A_132 = vector.broadcast %add3A_131 : i32 to vector<16xi32>
        %add3A_133 = arith.addi %sub3A_95, %add3A_132 : vector<16xi32>
        %gather3A = tpu.vector_load_idx %arg5[%add3A_133, %add3A_99] : memref<530x64xf32, #tpu.memory_space<vmem>>[vector<16xi32>, vector<16xi32>], vector<16xf32>,
        %swap3A = arith.index_cast %add3A_131 : i32 to index
        %swap3A_134 = arith.constant 32 : index
        %swap3A_135 = tpu.vector_load %arg6[%swap3A, %swap3A_134] {strides = array<i32>} : memref<514x64xf32, #tpu.memory_space<vmem>>, vector<16xf32>,
        tpu.vector_store %arg6[%swap3A, %swap3A_134], %gather3A {strides = array<i32>} : memref<514x64xf32, #tpu.memory_space<vmem>>, vector<16xf32>,
      }
      %scan3A_104 = arith.constant 514 : i32
      %add3A_105 = arith.constant 48 : i32
      %add3A_106 = arith.addi %mul3A_43, %add3A_105 : i32
      %get3A_107 = arith.index_cast %add3A_106 : i32 to index
      %get3A_108 = tpu.vector_load %arg7[%get3A_107] {strides = array<i32>} : memref<1024xi32, #tpu.memory_space<vmem>>, vector<16xi32>,
      %sub3A_109 = arith.constant 16 : i32
      %sub3A_110 = vector.broadcast %sub3A_109 : i32 to vector<16xi32>
      %sub3A_111 = arith.subi %sub3A_110, %get3A_108 : vector<16xi32>
      %iota3A_112 = tpu.iota {dimensions = array<i32: 0>} : vector<16xi32>
      %add3A_113 = arith.constant 48 : i32
      %add3A_114 = vector.broadcast %add3A_113 : i32 to vector<16xi32>
      %add3A_115 = arith.addi %iota3A_112, %add3A_114 : vector<16xi32>
      %scan3A_116 = arith.constant 0 : i32
      %scan3A_117 = arith.constant 514 : i32
      %scan3A_118 = arith.addi %scan3A_116, %scan3A_117 : i32
      %scan3A_119 = arith.constant 1 : i32
      scf.for %scan3A_127 = %scan3A_116 to %scan3A_118 step %scan3A_119  : i32 {
        %mul3A_128 = arith.constant 1 : i32
        %mul3A_129 = arith.muli %scan3A_127, %mul3A_128 : i32
        %add3A_130 = arith.constant 0 : i32
        %add3A_131 = arith.addi %add3A_130, %mul3A_129 : i32
        %add3A_132 = vector.broadcast %add3A_131 : i32 to vector<16xi32>
        %add3A_133 = arith.addi %sub3A_111, %add3A_132 : vector<16xi32>
        %gather3A = tpu.vector_load_idx %arg5[%add3A_133, %add3A_115] : memref<530x64xf32, #tpu.memory_space<vmem>>[vector<16xi32>, vector<16xi32>], vector<16xf32>,
        %swap3A = arith.index_cast %add3A_131 : i32 to index
        %swap3A_134 = arith.constant 48 : index
        %swap3A_135 = tpu.vector_load %arg6[%swap3A, %swap3A_134] {strides = array<i32>} : memref<514x64xf32, #tpu.memory_space<vmem>>, vector<16xf32>,
        tpu.vector_store %arg6[%swap3A, %swap3A_134], %gather3A {strides = array<i32>} : memref<514x64xf32, #tpu.memory_space<vmem>>, vector<16xf32>,
      }
      %scan3A_120 = arith.constant 514 : i32
      %dma_start3A = tpu.memref_slice %arg4[%select_n3A, %mul3A_32, %mul3A_43] : memref<4x4112x1024xf32, #tpu.memory_space<hbm>> -> memref<1x514x64xf32, #tpu.memory_space<hbm>>
      %dma_start3A_121 = tpu.memref_squeeze %dma_start3A : memref<1x514x64xf32, #tpu.memory_space<hbm>> -> memref<514x64xf32, #tpu.memory_space<hbm>>
      %dma_start3A_122 = tpu.memref_slice %arg4[%select_n3A, %mul3A_32, %mul3A_43] : memref<4x4112x1024xf32, #tpu.memory_space<hbm>> -> memref<1x514x64xf32, #tpu.memory_space<hbm>>
      %dma_start3A_123 = tpu.memref_squeeze %dma_start3A_122 : memref<1x514x64xf32, #tpu.memory_space<hbm>> -> memref<514x64xf32, #tpu.memory_space<hbm>>
      tpu.enqueue_dma source(%arg6 : memref<514x64xf32, #tpu.memory_space<vmem>>) target(%dma_start3A_123 : memref<514x64xf32, #tpu.memory_space<hbm>>) target_semaphore(%arg8 : memref<!tpu.dma_semaphore, #tpu.memory_space<semaphore_mem>>)
      %dma_wait3A = tpu.memref_slice %arg4[%select_n3A, %mul3A_32, %mul3A_43] : memref<4x4112x1024xf32, #tpu.memory_space<hbm>> -> memref<1x514x64xf32, #tpu.memory_space<hbm>>
      %dma_wait3A_124 = tpu.memref_squeeze %dma_wait3A : memref<1x514x64xf32, #tpu.memory_space<hbm>> -> memref<514x64xf32, #tpu.memory_space<hbm>>
      %dma_wait3A_125 = tpu.memref_slice %arg4[%select_n3A, %mul3A_32, %mul3A_43] : memref<4x4112x1024xf32, #tpu.memory_space<hbm>> -> memref<1x514x64xf32, #tpu.memory_space<hbm>>
      %dma_wait3A_126 = tpu.memref_squeeze %dma_wait3A_125 : memref<1x514x64xf32, #tpu.memory_space<hbm>> -> memref<514x64xf32, #tpu.memory_space<hbm>>
      tpu.wait_dma2 semaphore(%arg8 : memref<!tpu.dma_semaphore, #tpu.memory_space<semaphore_mem>>) src(%arg6 : memref<514x64xf32, #tpu.memory_space<vmem>>) dst(%dma_wait3A_126 : memref<514x64xf32, #tpu.memory_space<hbm>>)
    }
    %scan3A_36 = arith.constant 16 : i32
    return
  }
}

</mosaic_0001>

<sc_bundles>
// kernel: kernel.3.cloned.1.call-start
scs
__scs_entry_jumppad:
0x0: {  	(pc) =	sbr.rel $0x88, $3  }
0x1: {  	(tag) =	ssettag $0x0;
	lr =	simm.s32 $0x1  }
0x2: {  	[smem:$0x3F9F] =	sst lr;
	_ =	strace $0xD0000000  }
0x3: {  	_ = 	snop  }
0x4: {  	_ = 	snop  }
0x5: {  	_ = 	snop  }
0x6: {  	_ = 	snop  }
0x7: {  	_ = 	snop  }
__scs_overlays_trampoline_lowered:
0x8: {  	[smem:$0x3FAE] =	sst s0  }
0x9: {  	[smem:$0x3FAF] =	sst s1  }
0xa: {  	[smem:$0x3FB0] =	sst s2  }
0xb: {  	[smem:$0x3FB1] =	sst s3  }
0xc: {  	[smem:$0x3FB2] =	sst s4  }
0xd: {  	[smem:$0x3FB3] =	sst s5  }
0xe: {  	[smem:$0x3FB4] =	sst s6  }
0xf: {  	[smem:$0x3FB5] =	sst s7  }
0x10: {  	[smem:$0x3FB6] =	sst s8  }
0x11: {  	[smem:$0x3FB7] =	sst s9;
	s0 =	simm.s32 @!p0 $0x0  }
0x12: {  	s1 =	sld [smem:$0x3F9D];
	s0 =	simm.s32 @p0 $0x1  }
0x13: {  	[smem:$0x3FB8] =	sst s0;
	s0 =	simm.s32 @!p1 $0x0  }
0x14: {  	s2 =	sld [smem:$0x3F9C];
	s0 =	simm.s32 @p1 $0x1  }
0x15: {  	[smem:$0x3FB9] =	sst s0;
	s0 =	simm.s32 @!p2 $0x0  }
0x16: {  	s3 =	sld [smem:$0x3FDB];
	s0 =	simm.s32 @p2 $0x1  }
0x17: {  	s4 =	simm.s32 $0x1BF5;
	[smem:$0x3FBB] =	sst s0  }
0x18: {  	s0 =	sld [smem:$0x3F9E];
	_ =	swait.ge [sflag:s4], $0x0  }
0x19: {  	s7 =	sld [smem:$0x3F9F]  }
0x1a: {  	s8 =	sadd.s32 $0xFFFFE003, lr  }
0x1b: {  	s9 =	sadd.s32 $0xFFFFFEF7, lr;
	s5 =	simm.s32 $0xFFFFFFFF;
	p2 =	slt.u32 s8, $0xFFFFF086  }
0x1c: {  	p1 =	slt.u32 s9, $0xF7A;
	s5 =	simm.s32 @!p2 $0x0  }
0x1d: {  	s5 =	simm.s32 @p1 $0x1;
	p0 =	seq.s32 s7, s2  }
0x1e: {  	s7 =	smul.u32 @!p0 $0xF7A, s2;
	p2 =	seq.s32 @!p0 s5, $0x0  }
0x1f: {  	s9 =	smul.u32 $0xF7A, s1;
	s8 =	simm.s32 @!p0 $0x1BF5;
	p2 =	por !p2, p0  }
0x20: {  	[sflag:s8] =	ssyncset.s32 @!p0 $0xFFFFF086;
	s6 =	sadd.s32 @!p0 s3, s7;
	s7 =	simm.s32 @!p0 $0x108  }
0x21: {  	s3 =	sadd.s32 s3, s9;
	s6 =	sadd.s32 @!p0 $0x88, s6;
	s7 =	simm.s32 @p2 $0x1082  }
0x22: {  	[simem:s7], [sflag:s8] =	dma.local @!p0 [hbm:s6], $0xF7A  }
0x23: {  	s9 =	sor.u32 $0xD0000000, s2;
	s6 =	simm.s32 $0x108;
	_ =	swait.ge @!p0 [sflag:s8], $0x0  }
0x24: {  	s3 =	sadd.s32 $0x88, s3;
	s6 =	simm.s32 @!p1 $0x1082;
	[sflag:s4] =	ssyncset.s32 $0xFFFFF086  }
0x25: {  	[simem:s6], [sflag:s4] =	dma.local [hbm:s3], $0xF7A  }
0x26: {  	[smem:$0x3F9F] =	sst s1;
	(tag) =	ssettag s2;
	_ =	strace s9  }
0x27: {  	s1 =	sld [smem:$0x3FAF]  }
0x28: {  	s2 =	sld [smem:$0x3FB0]  }
0x29: {  	s4 =	sld [smem:$0x3FB2]  }
0x2a: {  	p0 =	seq.s32 s5, $0x0;
	s5 =	sld [smem:$0x3FB3]  }
0x2b: {  	s6 =	sld [smem:$0x3FB4]  }
0x2c: {  	s7 =	sld [smem:$0x3FB5]  }
0x2d: {  	s3 =	simm.s32 $0x108;
	s8 =	sld [smem:$0x3FB6]  }
0x2e: {  	s3 =	simm.s32 @!p0 $0x1082;
	s9 =	sld [smem:$0x3FB7]  }
0x2f: {  	lr =	sadd.s32 s0, s3;
	s0 =	sld [smem:$0x3FAE]  }
0x30: {  	s3 =	sld [smem:$0x3FB1]  }
0x31: {  	[smem:$0x3FBA] =	sst s10  }
0x32: {  	s10 =	sld [smem:$0x3FB8];
	_ =	sdelay $0x3  }
0x33: {  	p0 =	seq.s32 s10, $0x1;
	s10 =	sld [smem:$0x3FBA];
	_ =	sdelay $0x3  }
0x34: {  	[smem:$0x3FBA] =	sst s10  }
0x35: {  	s10 =	sld [smem:$0x3FB9];
	_ =	sdelay $0x3  }
0x36: {  	p1 =	seq.s32 s10, $0x1;
	s10 =	sld [smem:$0x3FBA];
	_ =	sdelay $0x3  }
0x37: {  	[smem:$0x3FBA] =	sst s10  }
0x38: {  	s10 =	sld [smem:$0x3FBB]  }
0x39: {  	_ = 	snop;
	(pc) =	sbr.ind lr, $3  }
0x3a: {  	_ = 	snop  }
0x3b: {  	_ = 	snop  }
0x3c: {  	p2 =	seq.s32 s10, $0x1;
	s10 =	sld [smem:$0x3FBA]  }
0x3d: {  	_ =	shalt  }
0x3e: {  	_ =	shalt  }
0x3f: {  	_ =	shalt  }
0x40: {  	_ =	shalt  }
0x41: {  	_ =	shalt  }
0x42: {  	_ =	shalt  }
0x43: {  	_ =	shalt  }
0x44: {  	_ =	shalt  }
0x45: {  	_ =	shalt  }
0x46: {  	_ =	shalt  }
0x47: {  	_ =	shalt  }
0x48: {  	_ =	shalt  }
0x49: {  	_ =	shalt  }
0x4a: {  	_ =	shalt  }
0x4b: {  	_ =	shalt  }
0x4c: {  	_ =	shalt  }
0x4d: {  	_ =	shalt  }
0x4e: {  	_ =	shalt  }
0x4f: {  	_ =	shalt  }
0x50: {  	_ =	shalt  }
0x51: {  	_ =	shalt  }
0x52: {  	_ =	shalt  }
0x53: {  	_ =	shalt  }
0x54: {  	_ =	shalt  }
0x55: {  	_ =	shalt  }
0x56: {  	_ =	shalt  }
0x57: {  	_ =	shalt  }
0x58: {  	_ =	shalt  }
0x59: {  	_ =	shalt  }
0x5a: {  	_ =	shalt  }
0x5b: {  	_ =	shalt  }
0x5c: {  	_ =	shalt  }
0x5d: {  	_ =	shalt  }
0x5e: {  	_ =	shalt  }
0x5f: {  	_ =	shalt  }
0x60: {  	_ =	shalt  }
0x61: {  	_ =	shalt  }
0x62: {  	_ =	shalt  }
0x63: {  	_ =	shalt  }
0x64: {  	_ =	shalt  }
0x65: {  	_ =	shalt  }
0x66: {  	_ =	shalt  }
0x67: {  	_ =	shalt  }
0x68: {  	_ =	shalt  }
0x69: {  	_ =	shalt  }
0x6a: {  	_ =	shalt  }
0x6b: {  	_ =	shalt  }
0x6c: {  	_ =	shalt  }
0x6d: {  	_ =	shalt  }
0x6e: {  	_ =	shalt  }
0x6f: {  	_ =	shalt  }
0x70: {  	_ =	shalt  }
0x71: {  	_ =	shalt  }
0x72: {  	_ =	shalt  }
0x73: {  	_ =	shalt  }
0x74: {  	_ =	shalt  }
0x75: {  	_ =	shalt  }
0x76: {  	_ =	shalt  }
0x77: {  	_ =	shalt  }
0x78: {  	_ =	shalt  }
0x79: {  	_ =	shalt  }
0x7a: {  	_ =	shalt  }
0x7b: {  	_ =	shalt  }
0x7c: {  	_ =	shalt  }
0x7d: {  	_ =	shalt  }
0x7e: {  	_ =	shalt  }
0x7f: {  	_ =	shalt  }
0x80: {  	_ =	shalt  }
0x81: {  	_ =	shalt  }
0x82: {  	_ =	shalt  }
0x83: {  	_ =	shalt  }
0x84: {  	_ =	shalt  }
0x85: {  	_ =	shalt  }
0x86: {  	_ =	shalt  }
0x87: {  	_ =	shalt  }
.Lfunc_end0:
.L_simem_size_0:
called_computation.1_lowered:
.L_overlay_start_0:
0x88: {  	s2 =	sld [smem:$0x3FD9]  }
0x89: {  	s3 =	sld [smem:$0x3FFE];
	_ =	sdelay $0x1  }
0x8a: {  	s1 =	srdreg.scid  }
0x8b: {  	s0 =	sand.u32 $0x1, s1  }
0x8c: {  	s17 =	sshll.u32 s0, $0xA;
	s2 =	sadd.s32 s3, s2  }
0x8d: {  	s2 =	sadd.s32 s2, s17  }
0x8e: {  	[smem:$0x3FC6] =	sst s2  }
0x8f: {  	_ = 	snop  }
0x90: {  	s2 =	sld [smem:$0x3FC8]  }
0x91: {  	s18 =	sld [smem:$0x3FD0];
	(tm) =	ssettm $0x1  }
0x92: {  	s4 =	sld [smem:$0x3FFB];
	_ =	sdelay $0x3  }
0x93: {  	_ =	strace s4  }
0x94: {  	s4 =	sld [smem:$0x3FFC];
	_ =	sdelay $0x3  }
0x95: {  	_ =	strace s4  }
0x96: {  	s4 =	sld [smem:$0x3FFD];
	_ =	sdelay $0x3  }
0x97: {  	_ =	strace s4  }
0x98: {  	_ =	strace $0x8FFFFFFF  }
0x99: {  	s19 =	sld [smem:$0x3FDB];
	_ =	sdelay $0x1  }
0x9a: {  	s5 =	simm.s32 $_scs_section_size  }
0x9b: {  	s6 =	simm.s32 $_size__tile_overlayer_lowered;
	s7 =	simm.s32 $_tile_overlayer_lowered  }
0x9c: {  	s22 =	simm.s32 $0x1BFF;
	s21 =	sshll.u32 s7, $0x1;
	s4 =	sadd.s32 s5, s19  }
0x9d: {  	s8 =	simm.s32 $0x0;
	s20 =	sshll.u32 s6, $0x1;
	s6 =	sadd.s32 s21, s4  }
0x9e: {  	[timem:s8], [sflag:s22] =	dma.local [hbm:s6], s20  }
0x9f: {  	_ =	swait.ge [sflag:s22], s20  }
0xa0: {  	s5 =	ssub.s32 $0x0, s20;
	[sflag:s22] =	ssyncset.done $0x0  }
0xa1: {  	[sflag:s22] =	ssyncadd.s32 s5;
	_ =	sdelay $0x1  }
0xa2: {  	s23 =	simm.s32 $0x1B8B  }
0xa3: {  	_ =	swait.ge [sflag:s23], $0x1  }
0xa4: {  	[sflag:s23] =	ssyncset.done $0x0  }
0xa5: {  	s25 =	simm.s32 $0x1B8E;
	s24 =	sld [smem:$0x3FFE];
	[sflag:s23] =	ssyncadd.s32 $0xFFFFFFFF  }
0xa6: {  	s26 =	simm.s32 $execute0_lowered;
	[smem:$0x3FD2] =	sst s25  }
0xa7: {  	s6 =	sshll.u32 s26, $0x1;
	_ =	strace $0x80000049;
	[dreg:$0x1] =	wrdreg $0xFFFFFFFF  }
0xa8: {  	s28 =	simm.s32 $_size_execute0_lowered;
	s4 =	sadd.s32 s4, s6;
	[dreg:$0x0] =	wrdreg $0x0  }
0xa9: {  	s6 =	sshll.u32 s28, $0x1;
	[dreg:$0x2] =	wrdreg s4  }
0xaa: {  	[dreg:$0x3] =	wrdreg s6  }
0xab: {  	[dreg:$0x4] =	wrdreg $0xC0  }
0xac: {  	_ =	task [dreg:s8], $0x5FFFF  }
0xad: {  	[dreg:$0x1] =	wrdreg $0xFFFFFFFF  }
0xae: {  	[dreg:$0x0] =	wrdreg $0x60  }
0xaf: {  	[dreg:$0x2] =	wrdreg s18  }
0xb0: {  	[dreg:$0x3] =	wrdreg s2  }
0xb1: {  	[dreg:$0x4] =	wrdreg s24  }
0xb2: {  	[dreg:$0x5] =	wrdreg $0x9  }
0xb3: {  	_ =	task.clear_ibuf [dreg:s8], $0x6FFFF;
	_ =	strace $0x90000049  }
0xb4: {  	s29 =	simm.s32 $0x9;
	_ =	strace $0x8000004B  }
0xb5: {  	_ =	swait.ge [sflag:s29], $0x1  }
0xb6: {  	[sflag:s29] =	ssyncadd.s32 $0xFFFFFFFF  }
0xb7: {  	_ =	strace $0x9000004B  }
0xb8: {  	_ =	sfence  }
0xb9: {  	s30 =	sld [smem:$0x0];
	_ =	sdelay $0x2  }
0xba: {  	s31 =	sshll.u32 s1, $0xD;
	s1 =	sshrl.u32 s1, $0x2  }
0xbb: {  	s3 =	sand.u32 $0x4000, s31;
	s1 =	sadd.s32 s1, s30  }
0xbc: {  	s0 =	sor.u32 s3, s0;
	s1 =	sshll.u32 s1, $0x11  }
0xbd: {  	s0 =	sor.u32 s1, s0  }
0xbe: {  	s0 =	sadd.s32 $0x8F2B, s0  }
0xbf: {  	[sflag:s0] =	ssyncadd.remote.s32 $0x1  }
0xc0: {  	_ =	sfence.sel $0xFFFF  }
0xc1: {  	[dreg:$0x0] =	wrdreg $0xFFFFFFFF;
	(pc) =	sbr.abs _section_cstart, $3  }
0xc2: {  	[dreg:$0x1] =	wrdreg $0xFFFFFFFF  }
0xc3: {  	_ =	task.clear_ibuf [dreg:s8], $0x2FFFF;
	_ =	strace $0x9FFFFFFF  }
0xc4: {  	(tm) =	ssettm $0x7FFFFFFF  }
0xc5: {  	_ =	shalt  }
tec
execute0_lowered:
.L_overlay_start_1:
0x0: {  	(tag) =	ssettag $0x1  }
0x1: {  	s2 =	rddreg [dreg:$0x0]  }
0x2: {  	s3 =	rddreg [dreg:$0x1]  }
0x3: {  	s5 =	rddreg [dreg:$0x2]  }
0x4: {  	s0 =	rddreg [dreg:$0x3];
	s1 =	stileid.u32  }
0x5: {  	s4 =	simm.s32 $0x0;
	s6 =	srdreg.scid;
	s12 =	simm.s32 $0x2  }
0x6: {  	s13 =	simm.s32 $0x40;
	s14 =	simm.s32 $0x400;
	s15 =	simm.s32 $0x1  }
0x7: {  	s16 =	simm.s32 $0x8480;
	s7 =	sshll.u32 s1, $0x1;
	[smem:$0x7FF] =	sst s4  }
0x8: {  	s6 =	sand.u32 $0x1, s6;
	s5 =	sadd.s32 $0x800, s5;
	s8 =	sshrl.u32 s1, $0x2  }
0x9: {  	s7 =	sand.u32 $0x6, s7;
	_ =	strace $0x8000004A;
	s30 =	ssub.s32 $0x2, s6  }
0xa: {  	s11 =	smul.u32 $0x404000, s8;
	s17 =	sor.u32 s6, s7;
	s10 =	sshrl.u32 s30, $0x1  }
0xb: {  	s6 =	sshll.u32 s8, $0x16;
	s7 =	sadd.s32 $0x6FF00, s2;
	s9 =	smul.u32 $0x80800, s17  }
0xc: {  	v4 =	vlaneseq.u32;
	s10 =	ssub.s32 s30, s10;
	p0 =	seq.s32 s17, $0x7;
	p1 =	sne.s32 s17, $0x0  }
0xd: {  	v0 =	vimm.f32 $0.0e+00;
	v1 =	vor.u32 $0x400, v4;
	s17 =	simm.s32 $0x0;
	s10 =	smax.u32 s10, $0x1;
	s31 =	sor.u32 s9, s6  }
0xe: {  	v2 =	vor.u32 $0x410, v4;
	v3 =	vor.u32 $0x420, v4;
	v4 =	vor.u32 $0x430, v4;
	s9 =	sadd.s32 s11, s9;
	s11 =	simm.s32 $0x10500;
	s8 =	sadd.s32 $0xFFFFC000, s31  }
.LBB2_1:
0xf: {  	[tilespmem:s11], [sflag:$0x2] =	stream.linear.gather [hbm4b:s3+s4], $0x400, $0x38;
	[tilespmem:$0x10900] =	vst v63  }
0x10: {  	_ =	swait.ge [sflag:s12], $0x400  }
0x11: {  	[sflag:s12] =	ssyncset.done $0x0  }
0x12: {  	s18 =	simm.s32 $0x0;
	[sflag:s12] =	ssyncadd.s32 $0xFFFFFC00  }
.LBB2_2:
.Ltmp0:
0x13: {  	(pc) =	sbr.rel @p0 .LBB2_5-.Ltmp0, $2  }
0x14: {  	_ =	sdelay $0x2  }
0x15: {  	s19 =	sshll.u32 s18, $0x6  }
.Ltmp1:
0x16: {  	(pc) =	sbr.rel @p1 .LBB2_8-.Ltmp1, $1  }
0x17: {  	_ =	sdelay $0x3  }
0x18: {  	[tilespmem:$0x0] =	vst v0  }
0x19: {  	[tilespmem:$0x10] =	vst v0  }
0x1a: {  	[tilespmem:$0x20] =	vst v0  }
0x1b: {  	[tilespmem:$0x30] =	vst v0  }
0x1c: {  	[tilespmem:$0x40] =	vst v0  }
0x1d: {  	[tilespmem:$0x50] =	vst v0  }
0x1e: {  	[tilespmem:$0x60] =	vst v0  }
0x1f: {  	[tilespmem:$0x70] =	vst v0  }
0x20: {  	[tilespmem:$0x80] =	vst v0  }
0x21: {  	[tilespmem:$0x90] =	vst v0  }
0x22: {  	[tilespmem:$0xA0] =	vst v0  }
0x23: {  	[tilespmem:$0xB0] =	vst v0  }
0x24: {  	[tilespmem:$0xC0] =	vst v0  }
0x25: {  	[tilespmem:$0xD0] =	vst v0  }
0x26: {  	[tilespmem:$0xE0] =	vst v0  }
0x27: {  	[tilespmem:$0xF0] =	vst v0  }
0x28: {  	[tilespmem:$0x100] =	vst v0  }
0x29: {  	[tilespmem:$0x110] =	vst v0  }
0x2a: {  	[tilespmem:$0x120] =	vst v0  }
0x2b: {  	[tilespmem:$0x130] =	vst v0  }
0x2c: {  	[tilespmem:$0x140] =	vst v0  }
0x2d: {  	[tilespmem:$0x150] =	vst v0  }
0x2e: {  	[tilespmem:$0x160] =	vst v0  }
0x2f: {  	[tilespmem:$0x170] =	vst v0  }
0x30: {  	[tilespmem:$0x180] =	vst v0  }
0x31: {  	[tilespmem:$0x190] =	vst v0  }
0x32: {  	[tilespmem:$0x1A0] =	vst v0  }
0x33: {  	[tilespmem:$0x1B0] =	vst v0  }
0x34: {  	[tilespmem:$0x1C0] =	vst v0  }
0x35: {  	[tilespmem:$0x1D0] =	vst v0  }
0x36: {  	[tilespmem:$0x1E0] =	vst v0  }
0x37: {  	[tilespmem:$0x1F0] =	vst v0  }
0x38: {  	[tilespmem:$0x200] =	vst v0  }
0x39: {  	[tilespmem:$0x210] =	vst v0  }
0x3a: {  	[tilespmem:$0x220] =	vst v0  }
0x3b: {  	[tilespmem:$0x230] =	vst v0  }
0x3c: {  	[tilespmem:$0x240] =	vst v0  }
0x3d: {  	[tilespmem:$0x250] =	vst v0  }
0x3e: {  	[tilespmem:$0x260] =	vst v0  }
0x3f: {  	[tilespmem:$0x270] =	vst v0  }
0x40: {  	[tilespmem:$0x280] =	vst v0  }
0x41: {  	[tilespmem:$0x290] =	vst v0  }
0x42: {  	[tilespmem:$0x2A0] =	vst v0  }
0x43: {  	[tilespmem:$0x2B0] =	vst v0  }
0x44: {  	[tilespmem:$0x2C0] =	vst v0  }
0x45: {  	[tilespmem:$0x2D0] =	vst v0  }
0x46: {  	[tilespmem:$0x2E0] =	vst v0  }
0x47: {  	[tilespmem:$0x2F0] =	vst v0  }
0x48: {  	[tilespmem:$0x300] =	vst v0  }
0x49: {  	[tilespmem:$0x310] =	vst v0  }
0x4a: {  	[tilespmem:$0x320] =	vst v0  }
0x4b: {  	[tilespmem:$0x330] =	vst v0  }
0x4c: {  	[tilespmem:$0x340] =	vst v0  }
0x4d: {  	[tilespmem:$0x350] =	vst v0  }
0x4e: {  	[tilespmem:$0x360] =	vst v0  }
0x4f: {  	[tilespmem:$0x370] =	vst v0  }
0x50: {  	[tilespmem:$0x380] =	vst v0  }
0x51: {  	[tilespmem:$0x390] =	vst v0  }
0x52: {  	[tilespmem:$0x3A0] =	vst v0  }
0x53: {  	[tilespmem:$0x3B0] =	vst v0  }
0x54: {  	[tilespmem:$0x3C0] =	vst v0  }
0x55: {  	[tilespmem:$0x3D0] =	vst v0;
	s20 =	sadd.s32 s6, s19  }
0x56: {  	[tilespmem:$0x3E0] =	vst v0;
	s20 =	sshrl.u32 s20, $0x3  }
.Ltmp2:
0x57: {  	[tilespmem:$0x3F0] =	vst v0;
	s20 =	sadd.s32 s2, s20;
	(pc) =	sbr.rel .LBB2_9-.Ltmp2, $4  }
0x58: {  	[tilespmem:s14], [sflag:$0x1] =	stream.strided.gather [hbm4b:s20+s13], $0x8080, s14, s13, $0x38;
	[tilespmem:$0x10900] =	vst v63  }
0x59: {  	_ =	swait.ge [sflag:s15], $0x8080  }
0x5a: {  	[sflag:s15] =	ssyncset.done $0x0  }
0x5b: {  	[sflag:s15] =	ssyncadd.s32 $0xFFFF7F80  }
.LBB2_5:
0x5c: {  	s21 =	simm.s32 $0x100;
	s20 =	simm.s32 $0x0  }
.LBB2_6:
0x5d: {  	p2 =	sne.s32 s21, $0xF00;
	[tilespmem:s20+$0x80B0] =	vst v0;
	s22 =	smov.u32 s21;
	s21 =	sadd.s32 $0x100, s21  }
.Ltmp3:
0x5e: {  	[tilespmem:s20+$0x80A0] =	vst v0;
	(pc) =	sbr.rel @p2 .LBB2_6-.Ltmp3, $3  }
0x5f: {  	[tilespmem:s20+$0x8080] =	vst v0  }
0x60: {  	[tilespmem:s20+$0x8090] =	vst v0;
	_ =	sdelay $0x1  }
0x61: {  	s20 =	sshra.s32 s22, $0x2  }
0x62: {  	[tilespmem:s20+$0x80B0] =	vst v0  }
0x63: {  	[tilespmem:s20+$0x80A0] =	vst v0;
	s21 =	sadd.s32 s6, s19  }
0x64: {  	[tilespmem:s20+$0x8080] =	vst v0;
	s21 =	sshrl.u32 s21, $0x3  }
.Ltmp4:
0x65: {  	[tilespmem:s20+$0x8090] =	vst v0;
	s31 =	sadd.s32 s21, s7;
	(pc) =	sbr.rel .LBB2_9-.Ltmp4, $4  }
0x66: {  	[tilespmem:s4], [sflag:$0x1] =	stream.strided.gather [hbm4b:s31+s13], $0x8080, s14, s13, $0x38;
	[tilespmem:$0x10900] =	vst v63  }
0x67: {  	_ =	swait.ge [sflag:s15], $0x8080  }
0x68: {  	[sflag:s15] =	ssyncset.done $0x0  }
0x69: {  	[sflag:s15] =	ssyncadd.s32 $0xFFFF7F80  }
.LBB2_8:
0x6a: {  	s20 =	sadd.s32 s19, s8  }
0x6b: {  	s20 =	sshrl.u32 s20, $0x3  }
0x6c: {  	s20 =	sadd.s32 s2, s20  }
0x6d: {  	[tilespmem:s4], [sflag:$0x1] =	stream.strided.gather [hbm4b:s20+s13], $0x8480, s14, s13, $0x38;
	[tilespmem:$0x10900] =	vst v63  }
0x6e: {  	_ =	swait.ge [sflag:s15], $0x8480  }
0x6f: {  	[sflag:s15] =	ssyncset.done $0x0  }
0x70: {  	[sflag:s15] =	ssyncadd.s32 $0xFFFF7B80  }
.LBB2_9:
0x71: {  	v5 =	vld [tilespmem:s19+$0x10500];
	_ =	sdelay $0x3  }
0x72: {  	s20 =	simm.s32 $0x0  }
0x73: {  	v6 =	vsub.s32 s20, v5  }
0x74: {  	v6 =	vshll.u32 v6, $0x6  }
0x75: {  	v6 =	vadd.s32 v1, v6;
	_ =	sdelay $0x2  }
0x76: {  	s31 =	simm.s32 $0x1  }
0x77: {  	v7 =	vsub.s32 s31, v5  }
0x78: {  	v7 =	vshll.u32 v7, $0x6;
	v6 =	vld.idx.msk [tilespmem:v6+s4+$0x0], $0xffff  }
0x79: {  	v8 =	vadd.s32 v1, v7;
	_ =	sdelay $0x2  }
0x7a: {  	s20 =	simm.s32 $0x8480  }
0x7b: {  	s21 =	simm.s32 $0x2;
	[tilespmem:s20+$0x0] =	vst v6  }
0x7c: {  	v7 =	vsub.s32 s21, v5;
	s21 =	simm.s32 $0x3;
	v6 =	vld.idx.msk [tilespmem:v8+s4+$0x0], $0xffff  }
.LBB2_10:
0x7d: {  	p2 =	sne.s32 s21, $0x201;
	v7 =	vshll.u32 v7, $0x6  }
0x7e: {  	v8 =	vadd.s32 v1, v7  }
.Ltmp5:
0x7f: {  	(pc) =	sbr.rel @p2 .LBB2_10-.Ltmp5, $4  }
0x80: {  	_ = 	snop  }
0x81: {  	s20 =	sadd.s32 $0x40, s20  }
0x82: {  	[tilespmem:s20+$0x0] =	vst v6  }
0x83: {  	v7 =	vsub.s32 s21, v5;
	s21 =	sadd.s32 $0x1, s21;
	v6 =	vld.idx.msk [tilespmem:v8+s4+$0x0], $0xffff  }
0x84: {  	v5 =	vshll.u32 v7, $0x6  }
0x85: {  	v5 =	vadd.s32 v1, v5;
	_ =	sdelay $0x2  }
0x86: {  	s20 =	sadd.s32 $0x40, s20  }
0x87: {  	[tilespmem:s20+$0x0] =	vst v6  }
0x88: {  	v5 =	vld.idx.msk [tilespmem:v5+s4+$0x0], $0xffff;
	_ =	sdelay $0x3  }
0x89: {  	s20 =	sadd.s32 $0x40, s20  }
0x8a: {  	[tilespmem:s20+$0x0] =	vst v5  }
0x8b: {  	v5 =	vld [tilespmem:s19+$0x10510];
	_ =	sdelay $0x3  }
0x8c: {  	s30 =	simm.s32 $0x0  }
0x8d: {  	v6 =	vsub.s32 s30, v5  }
0x8e: {  	v6 =	vshll.u32 v6, $0x6  }
0x8f: {  	v6 =	vadd.s32 v2, v6;
	_ =	sdelay $0x2  }
0x90: {  	s31 =	simm.s32 $0x1  }
0x91: {  	v7 =	vsub.s32 s31, v5  }
0x92: {  	v7 =	vshll.u32 v7, $0x6;
	v6 =	vld.idx.msk [tilespmem:v6+s4+$0x0], $0xffff  }
0x93: {  	v8 =	vadd.s32 v2, v7;
	_ =	sdelay $0x2  }
0x94: {  	s20 =	simm.s32 $0x8490  }
0x95: {  	s21 =	simm.s32 $0x2;
	[tilespmem:s20+$0x0] =	vst v6  }
0x96: {  	v7 =	vsub.s32 s21, v5;
	s21 =	simm.s32 $0x3;
	v6 =	vld.idx.msk [tilespmem:v8+s4+$0x0], $0xffff  }
.LBB2_12:
0x97: {  	p2 =	sne.s32 s21, $0x201;
	v7 =	vshll.u32 v7, $0x6  }
0x98: {  	v8 =	vadd.s32 v2, v7  }
.Ltmp6:
0x99: {  	(pc) =	sbr.rel @p2 .LBB2_12-.Ltmp6, $4  }
0x9a: {  	_ = 	snop  }
0x9b: {  	s20 =	sadd.s32 $0x40, s20  }
0x9c: {  	[tilespmem:s20+$0x0] =	vst v6  }
0x9d: {  	v7 =	vsub.s32 s21, v5;
	s21 =	sadd.s32 $0x1, s21;
	v6 =	vld.idx.msk [tilespmem:v8+s4+$0x0], $0xffff  }
0x9e: {  	v5 =	vshll.u32 v7, $0x6  }
0x9f: {  	v5 =	vadd.s32 v2, v5;
	_ =	sdelay $0x2  }
0xa0: {  	s20 =	sadd.s32 $0x40, s20  }
0xa1: {  	[tilespmem:s20+$0x0] =	vst v6  }
0xa2: {  	v5 =	vld.idx.msk [tilespmem:v5+s4+$0x0], $0xffff;
	_ =	sdelay $0x3  }
0xa3: {  	s20 =	sadd.s32 $0x40, s20  }
0xa4: {  	[tilespmem:s20+$0x0] =	vst v5  }
0xa5: {  	v5 =	vld [tilespmem:s19+$0x10520];
	_ =	sdelay $0x3  }
0xa6: {  	s30 =	simm.s32 $0x0  }
0xa7: {  	v6 =	vsub.s32 s30, v5  }
0xa8: {  	v6 =	vshll.u32 v6, $0x6  }
0xa9: {  	v6 =	vadd.s32 v3, v6;
	_ =	sdelay $0x2  }
0xaa: {  	s31 =	simm.s32 $0x1  }
0xab: {  	v7 =	vsub.s32 s31, v5  }
0xac: {  	v7 =	vshll.u32 v7, $0x6;
	v6 =	vld.idx.msk [tilespmem:v6+s4+$0x0], $0xffff  }
0xad: {  	v8 =	vadd.s32 v3, v7;
	_ =	sdelay $0x2  }
0xae: {  	s20 =	simm.s32 $0x84A0  }
0xaf: {  	s21 =	simm.s32 $0x2;
	[tilespmem:s20+$0x0] =	vst v6  }
0xb0: {  	v7 =	vsub.s32 s21, v5;
	s21 =	simm.s32 $0x3;
	v6 =	vld.idx.msk [tilespmem:v8+s4+$0x0], $0xffff  }
.LBB2_14:
0xb1: {  	p2 =	sne.s32 s21, $0x201;
	v7 =	vshll.u32 v7, $0x6  }
0xb2: {  	v8 =	vadd.s32 v3, v7  }
.Ltmp7:
0xb3: {  	(pc) =	sbr.rel @p2 .LBB2_14-.Ltmp7, $4  }
0xb4: {  	_ = 	snop  }
0xb5: {  	s20 =	sadd.s32 $0x40, s20  }
0xb6: {  	[tilespmem:s20+$0x0] =	vst v6  }
0xb7: {  	v7 =	vsub.s32 s21, v5;
	s21 =	sadd.s32 $0x1, s21;
	v6 =	vld.idx.msk [tilespmem:v8+s4+$0x0], $0xffff  }
0xb8: {  	v5 =	vshll.u32 v7, $0x6  }
0xb9: {  	v5 =	vadd.s32 v3, v5;
	_ =	sdelay $0x2  }
0xba: {  	s20 =	sadd.s32 $0x40, s20  }
0xbb: {  	[tilespmem:s20+$0x0] =	vst v6  }
0xbc: {  	v5 =	vld.idx.msk [tilespmem:v5+s4+$0x0], $0xffff;
	_ =	sdelay $0x3  }
0xbd: {  	s20 =	sadd.s32 $0x40, s20  }
0xbe: {  	[tilespmem:s20+$0x0] =	vst v5  }
0xbf: {  	v5 =	vld [tilespmem:s19+$0x10530];
	_ =	sdelay $0x3  }
0xc0: {  	s30 =	simm.s32 $0x0  }
0xc1: {  	v6 =	vsub.s32 s30, v5  }
0xc2: {  	v6 =	vshll.u32 v6, $0x6  }
0xc3: {  	v6 =	vadd.s32 v4, v6;
	_ =	sdelay $0x2  }
0xc4: {  	s31 =	simm.s32 $0x1  }
0xc5: {  	v7 =	vsub.s32 s31, v5  }
0xc6: {  	v7 =	vshll.u32 v7, $0x6;
	v6 =	vld.idx.msk [tilespmem:v6+s4+$0x0], $0xffff  }
0xc7: {  	v8 =	vadd.s32 v4, v7;
	_ =	sdelay $0x2  }
0xc8: {  	s20 =	simm.s32 $0x84B0  }
0xc9: {  	s21 =	simm.s32 $0x2;
	[tilespmem:s20+$0x0] =	vst v6  }
0xca: {  	v7 =	vsub.s32 s21, v5;
	s21 =	simm.s32 $0x3;
	v6 =	vld.idx.msk [tilespmem:v8+s4+$0x0], $0xffff  }
.LBB2_16:
0xcb: {  	p2 =	sne.s32 s21, $0x201;
	v7 =	vshll.u32 v7, $0x6  }
0xcc: {  	v8 =	vadd.s32 v4, v7  }
.Ltmp8:
0xcd: {  	(pc) =	sbr.rel @p2 .LBB2_16-.Ltmp8, $4  }
0xce: {  	_ = 	snop  }
0xcf: {  	s20 =	sadd.s32 $0x40, s20  }
0xd0: {  	[tilespmem:s20+$0x0] =	vst v6  }
0xd1: {  	v7 =	vsub.s32 s21, v5;
	s21 =	sadd.s32 $0x1, s21;
	v6 =	vld.idx.msk [tilespmem:v8+s4+$0x0], $0xffff  }
0xd2: {  	v5 =	vshll.u32 v7, $0x6  }
0xd3: {  	v5 =	vadd.s32 v4, v5;
	_ =	sdelay $0x2  }
0xd4: {  	s20 =	sadd.s32 $0x40, s20  }
0xd5: {  	[tilespmem:s20+$0x0] =	vst v6  }
0xd6: {  	v5 =	vld.idx.msk [tilespmem:v5+s4+$0x0], $0xffff;
	_ =	sdelay $0x2  }
0xd7: {  	s19 =	sadd.s32 s9, s19;
	s18 =	sadd.s32 $0x1, s18  }
0xd8: {  	s19 =	sshrl.u32 s19, $0x3;
	p2 =	sne.s32 s18, $0x10;
	s20 =	sadd.s32 $0x40, s20  }
.Ltmp9:
0xd9: {  	s19 =	sadd.s32 s5, s19;
	[tilespmem:s20+$0x0] =	vst v5;
	(pc) =	sbr.rel @p2 .LBB2_2-.Ltmp9, $4  }
0xda: {  	[hbm4b:s19+s13] =	stream.strided.scatter [tilespmem:s16], [sflag:$0x1], $0x8080, s14, s13, $0x38;
	[tilespmem:$0x10900] =	vst v63  }
0xdb: {  	_ =	swait.ge [sflag:s15], $0x8080  }
0xdc: {  	[sflag:s15] =	ssyncset.done $0x0  }
0xdd: {  	[sflag:s15] =	ssyncadd.s32 $0xFFFF7F80  }
0xde: {  	s17 =	sadd.s32 $0x1, s17  }
0xdf: {  	p2 =	sne.s32 s17, s10  }
.Ltmp10:
0xe0: {  	_ = 	snop;
	(pc) =	sbr.rel @p2 .LBB2_1-.Ltmp10, $1  }
0xe1: {  	_ =	sdelay $0x3  }
0xe2: {  	_ =	sfence.sel $0x180000  }
0xe3: {  	[bflag:$0x0] =	sbarrier.arrive $0xFFFF  }
0xe4: {  	p0 =	sne.s32 s1, $0x0;
	_ =	strace $0x9000004A  }
0xe5: {  	s0 =	sadd.s32 @!p0 $0x100000, s0;
	[bflag:$0x2] =	sbarrier.arrive $0xFFFF  }
0xe6: {  	[sflag:s0] =	ssyncadd.tile.s32 @!p0 $0x1;
	_ =	shalt  }
.Lfunc_end2:
_tile_overlayer_lowered:
.L_overlay_start_2:
0xe7: {  	(tag) =	ssettag $0x2  }
0xe8: {  	s0 =	rddreg [dreg:$0x0];
	s2 =	stileid.u32  }
0xe9: {  	s1 =	rddreg [dreg:$0x1];
	p0 =	sne.s32 s2, $0x0  }
0xea: {  	s3 =	rddreg [dreg:$0x2];
	[bflag:$0x3] =	sbarrier.arrive $0xFFFF;
	s2 =	simm.s32 @!p0 $0x1C02  }
0xeb: {  	[timem:s3], [sflag:s2] =	dma.local @!p0 [hbm:s0], s1  }
0xec: {  	s0 =	simm.s32 @!p0 $0x2  }
0xed: {  	_ =	swait.ge @!p0 [sflag:s0], s1  }
0xee: {  	s1 =	ssub.s32 @!p0 $0x0, s1;
	[sflag:s0] =	ssyncset.done @!p0 $0x0  }
0xef: {  	[sflag:s0] =	ssyncadd.s32 @!p0 s1  }
0xf0: {  	[bflag:$0x3] =	sbarrier.arrive $0xFFFF  }
0xf1: {  	_ =	shalt  }

// kernel: sparse-core-data-format-call.cloned.1.call-start
scs
called_computation_lowered:
.L_overlay_start_0:
0x0: {  	s2 =	sld [smem:$0x3FD9]  }
0x1: {  	s3 =	sld [smem:$0x3FFE];
	_ =	sdelay $0x1  }
0x2: {  	s1 =	srdreg.scid  }
0x3: {  	s0 =	sand.u32 $0x1, s1  }
0x4: {  	s19 =	sshll.u32 s0, $0xA;
	s2 =	sadd.s32 s3, s2  }
0x5: {  	s2 =	sadd.s32 s2, s19  }
0x6: {  	[smem:$0x3FC6] =	sst s2  }
0x7: {  	_ = 	snop  }
0x8: {  	s2 =	sld [smem:$0x3FC9]  }
0x9: {  	s20 =	sld [smem:$0x3FD0];
	(tm) =	ssettm $0x1  }
0xa: {  	s4 =	sld [smem:$0x3FFB];
	_ =	sdelay $0x3  }
0xb: {  	_ =	strace s4  }
0xc: {  	s4 =	sld [smem:$0x3FFC];
	_ =	sdelay $0x3  }
0xd: {  	_ =	strace s4  }
0xe: {  	s4 =	sld [smem:$0x3FFD];
	_ =	sdelay $0x3  }
0xf: {  	_ =	strace s4  }
0x10: {  	_ =	strace $0x8FFFFFFF  }
0x11: {  	s21 =	sld [smem:$0x3FDB];
	_ =	sdelay $0x1  }
0x12: {  	s5 =	simm.s32 $_scs_section_size  }
0x13: {  	s6 =	simm.s32 $_size__tile_overlayer_lowered;
	s7 =	simm.s32 $_tile_overlayer_lowered  }
0x14: {  	s24 =	simm.s32 $0x1BFF;
	s23 =	sshll.u32 s7, $0x1;
	s4 =	sadd.s32 s5, s21  }
0x15: {  	s8 =	simm.s32 $0x0;
	s22 =	sshll.u32 s6, $0x1;
	s6 =	sadd.s32 s23, s4  }
0x16: {  	[timem:s8], [sflag:s24] =	dma.local [hbm:s6], s22  }
0x17: {  	_ =	swait.ge [sflag:s24], s22  }
0x18: {  	s5 =	ssub.s32 $0x0, s22;
	[sflag:s24] =	ssyncset.done $0x0  }
0x19: {  	[sflag:s24] =	ssyncadd.s32 s5;
	_ =	sdelay $0x1  }
0x1a: {  	s25 =	simm.s32 $0x1B8B  }
0x1b: {  	_ =	swait.ge [sflag:s25], $0x1  }
0x1c: {  	[sflag:s25] =	ssyncset.done $0x0  }
0x1d: {  	s26 =	simm.s32 $0x1B8E;
	[sflag:s25] =	ssyncadd.s32 $0xFFFFFFFF  }
0x1e: {  	s27 =	simm.s32 $execute0_lowered;
	[smem:$0x3FD2] =	sst s26  }
0x1f: {  	s5 =	sshll.u32 s27, $0x1;
	_ =	strace $0x80000046;
	[dreg:$0x1] =	wrdreg $0xFFFFFFFF  }
0x20: {  	s28 =	simm.s32 $_size_execute0_lowered;
	s4 =	sadd.s32 s4, s5;
	[dreg:$0x0] =	wrdreg $0x0  }
0x21: {  	s5 =	sshll.u32 s28, $0x1;
	[dreg:$0x2] =	wrdreg s4  }
0x22: {  	[dreg:$0x3] =	wrdreg s5  }
0x23: {  	[dreg:$0x4] =	wrdreg $0xC0  }
0x24: {  	_ =	task [dreg:s8], $0x5FFFF  }
0x25: {  	[dreg:$0x1] =	wrdreg $0xFFFFFFFF  }
0x26: {  	[dreg:$0x0] =	wrdreg $0x60  }
0x27: {  	[dreg:$0x2] =	wrdreg s2  }
0x28: {  	[dreg:$0x3] =	wrdreg s20  }
0x29: {  	[dreg:$0x4] =	wrdreg $0x9  }
0x2a: {  	_ =	task.clear_ibuf [dreg:s8], $0x5FFFF;
	_ =	strace $0x90000046  }
0x2b: {  	s29 =	simm.s32 $0x9;
	_ =	strace $0x80000048  }
0x2c: {  	_ =	swait.ge [sflag:s29], $0x1  }
0x2d: {  	[sflag:s29] =	ssyncadd.s32 $0xFFFFFFFF  }
0x2e: {  	_ =	strace $0x90000048  }
0x2f: {  	_ =	sfence  }
0x30: {  	s30 =	sld [smem:$0x0];
	_ =	sdelay $0x2  }
0x31: {  	s31 =	sshll.u32 s1, $0xD;
	s1 =	sshrl.u32 s1, $0x2  }
0x32: {  	s3 =	sand.u32 $0x4000, s31;
	s1 =	sadd.s32 s1, s30  }
0x33: {  	s0 =	sor.u32 s3, s0;
	s1 =	sshll.u32 s1, $0x11  }
0x34: {  	s0 =	sor.u32 s1, s0  }
0x35: {  	s0 =	sadd.s32 $0x8F2B, s0  }
0x36: {  	[sflag:s0] =	ssyncadd.remote.s32 $0x1  }
0x37: {  	_ =	sfence.sel $0xFFFF  }
0x38: {  	[dreg:$0x0] =	wrdreg $0xFFFFFFFF;
	(pc) =	sbr.abs _section_cstart, $3  }
0x39: {  	[dreg:$0x1] =	wrdreg $0xFFFFFFFF  }
0x3a: {  	_ =	task.clear_ibuf [dreg:s8], $0x2FFFF;
	_ =	strace $0x9FFFFFFF  }
0x3b: {  	(tm) =	ssettm $0x7FFFFFFF  }
tec
execute0_lowered:
.L_overlay_start_1:
0x0: {  	(tag) =	ssettag $0x1  }
0x1: {  	s0 =	srdreg.scid  }
0x2: {  	s1 =	sshll.u32 s0, $0x4  }
0x3: {  	s2 =	rddreg [dreg:$0x0];
	s0 =	stileid.u32;
	s1 =	sand.u32 $0x10, s1  }
0x4: {  	s4 =	rddreg [dreg:$0x1];
	s1 =	sor.u32 s0, s1  }
0x5: {  	s7 =	simm.s32 $0x1;
	s8 =	simm.s32 $0x2;
	s3 =	sshll.u32 s1, $0x1  }
0x6: {  	s9 =	simm.s32 $0x0;
	s12 =	simm.s32 $0x0;
	s6 =	ssub.s32 $0x800, s3  }
.Ltmp0:
0x7: {  	s11 =	simm.s32 $0x0;
	s5 =	sand.u32 $0x3E, s6;
	(pc) =	sbr.rel .LBB1_1-.Ltmp0, $4  }
0x8: {  	s1 =	rddreg [dreg:$0x2];
	_ =	strace $0x80000047;
	p0 =	sne.s32 s5, $0x0  }
0x9: {  	s6 =	sshrl.u32 s6, $0x6;
	s5 =	simm.s32 $0x1;
	s7 =	simm.s32 @!p0 $0x0  }
0xa: {  	s10 =	smov.u32 s3;
	[sflag:s5] =	ssyncpa.u1 $0x0;
	s6 =	sadd.s32 s7, s6  }
0xb: {  	[sflag:s8] =	ssyncpa.u1 $0x0;
	s8 =	simm.s32 $0x0;
	s7 =	sadd.s32 $0x1, s6  }
.LBB1_9:
0xc: {  	s14 =	sadd.s32 $0x40, s10  }
0xd: {  	p1 =	sgt.s32 s14, $0x7FF  }
0xe: {  	s14 =	smov.u32 @p1 s3;
	p1 =	sne.s32 s11, s7  }
.Ltmp1:
0xf: {  	p0 =	slt.u32 s11, $0x2;
	(pc) =	sbr.rel @!p1 .LBB1_10-.Ltmp1, $4  }
0x10: {  	s13 =	simm.s32 @!p0 $0x2  }
0x11: {  	s15 =	sadd.s32 $0x1, s11;
	_ =	swait.ge @!p0 [sflag:s13], $0x4000  }
0x12: {  	s12 =	smov.u32 s10;
	s9 =	sadd.s32 $0x4000, s9;
	[sflag:s13] =	ssyncset.done @!p0 $0x0  }
0x13: {  	s11 =	smov.u32 s15;
	s10 =	smov.u32 s14;
	[sflag:s13] =	ssyncadd.s32 @!p0 $0xFFFFC000  }
.LBB1_1:
0x14: {  	p0 =	sge.u32 s11, s6  }
0x15: {  	s13 =	sxor.u32 @!p0 $0xFFFFFFFF, s11  }
0x16: {  	s31 =	sadd.s32 $0xFFFFFFFF, s11;
	s14 =	sshll.u32 @!p0 s10, $0xA;
	s13 =	sshll.u32 @!p0 s13, $0xE  }
0x17: {  	s15 =	simm.s32 @!p0 $0x0;
	s14 =	sadd.s32 @!p0 s2, s14;
	s13 =	sand.u32 @!p0 $0x4000, s13  }
0x18: {  	[tilespmem:s13], [sflag:$0x1] =	stream.linear.gather @!p0 [hbm4b:s14+s15], $0x4000, $0x38;
	[tilespmem:$0x10000] =	vst v63  }
0x19: {  	p0 =	sge.u32 s31, s6  }
.Ltmp2:
0x1a: {  	_ = 	snop;
	(pc) =	sbr.rel @p0 .LBB1_9-.Ltmp2, $1  }
0x1b: {  	_ =	sdelay $0x3  }
0x1c: {  	s13 =	sshll.u32 s9, $0x2  }
0x1d: {  	_ =	swait.ge [sflag:s5], $0x4000;
	s14 =	sshll.u32 s11, $0xE;
	s16 =	simm.s32 $0x0  }
0x1e: {  	p1 =	por $0x1, $0x1;
	s13 =	sand.u32 $0x10000, s13;
	[sflag:s5] =	ssyncset.done $0x0  }
0x1f: {  	s14 =	sand.u32 $0x4000, s14;
	s15 =	sshrl.u32 s13, $0x2;
	[sflag:s5] =	ssyncadd.s32 $0xFFFFC000  }
0x20: {  	s13 =	sor.u32 $0x8000, s14;
	s14 =	sadd.s32 $0x8040, s15;
	s15 =	sadd.s32 $0x40, s15  }
.LBB1_3:
0x21: {  	s16 =	sshll.u32 s16, $0x2  }
0x22: {  	p0 =	por p1, p1;
	s17 =	sshra.s32 s16, $0x2  }
0x23: {  	s18 =	simm.s32 $0x0;
	s16 =	sadd.s32 s17, s14;
	s17 =	sadd.s32 s17, s15  }
.LBB1_4:
0x24: {  	v0 =	vmov s17;
	_ =	sdelay $0x3  }
0x25: {  	s20 =	simm.s32 $0x0  }
0x26: {  	v6 =	vld.idx.msk [tilespmem:v0+s20+$0x30 ss:$0x1], $0xffff  }
0x27: {  	v7 =	vld.idx.msk [tilespmem:v0+s20+$0xFFFFFFC0 ss:$0x1], $0xffff  }
0x28: {  	v5 =	vld.idx.msk [tilespmem:v0+s20+$0xFFFFFFD0 ss:$0x1], $0xffff  }
0x29: {  	v4 =	vld.idx.msk [tilespmem:v0+s20+$0xFFFFFFE0 ss:$0x1], $0xffff  }
0x2a: {  	v3 =	vld.idx.msk [tilespmem:v0+s20+$0xFFFFFFF0 ss:$0x1], $0xffff  }
0x2b: {  	v1 =	vld.idx.msk [tilespmem:v0+s20+$0x0 ss:$0x1], $0xffff  }
0x2c: {  	v2 =	vld.idx.msk [tilespmem:v0+s20+$0x10 ss:$0x1], $0xffff;
	[tilespmem:s16+$0x30] =	vst v6  }
0x2d: {  	s19 =	simm.s32 $0x80;
	s21 =	simm.s32 $0x400;
	[tilespmem:s16+$0xFFFFFFC0] =	vst v7;
	v6 =	vld.idx.msk [tilespmem:v0+s20+$0x20 ss:$0x1], $0xffff;
	s20 =	smov.u32 s16  }
.LBB1_5:
0x2e: {  	p1 =	sne.s32 s21, $0xE00;
	v7 =	vld.idx.msk [tilespmem:v0+s19+$0x30 ss:$0x1], $0xffff;
	[tilespmem:s20+$0xFFFFFFD0] =	vst v5  }
0x2f: {  	v8 =	vld.idx.msk [tilespmem:v0+s19+$0xFFFFFFC0 ss:$0x1], $0xffff;
	[tilespmem:s20+$0xFFFFFFE0] =	vst v4  }
0x30: {  	v5 =	vld.idx.msk [tilespmem:v0+s19+$0xFFFFFFD0 ss:$0x1], $0xffff;
	[tilespmem:s20+$0xFFFFFFF0] =	vst v3  }
.Ltmp3:
0x31: {  	v4 =	vld.idx.msk [tilespmem:v0+s19+$0xFFFFFFE0 ss:$0x1], $0xffff;
	[tilespmem:s20+$0x0] =	vst v1;
	(pc) =	sbr.rel @p1 .LBB1_5-.Ltmp3, $4  }
0x32: {  	v3 =	vld.idx.msk [tilespmem:v0+s19+$0xFFFFFFF0 ss:$0x1], $0xffff;
	[tilespmem:s20+$0x10] =	vst v2  }
0x33: {  	v1 =	vld.idx.msk [tilespmem:v0+s19+$0x0 ss:$0x1], $0xffff;
	[tilespmem:s20+$0x20] =	vst v6;
	s20 =	sadd.s32 $0x400, s20  }
0x34: {  	v2 =	vld.idx.msk [tilespmem:v0+s19+$0x10 ss:$0x1], $0xffff;
	[tilespmem:s20+$0x30] =	vst v7  }
0x35: {  	[tilespmem:s20+$0xFFFFFFC0] =	vst v8;
	v6 =	vld.idx.msk [tilespmem:v0+s19+$0x20 ss:$0x1], $0xffff;
	s19 =	sshra.s32 s21, $0x2;
	s21 =	sadd.s32 $0x200, s21  }
0x36: {  	_ =	sdelay $0x2  }
0x37: {  	[tilespmem:s20+$0xFFFFFFD0] =	vst v5  }
0x38: {  	v56 =	vld.idx.msk [tilespmem:v0+s19+$0x30 ss:$0x1], $0xffff;
	[tilespmem:s20+$0xFFFFFFE0] =	vst v4  }
0x39: {  	v57 =	vld.idx.msk [tilespmem:v0+s19+$0xFFFFFFC0 ss:$0x1], $0xffff;
	[tilespmem:s20+$0xFFFFFFF0] =	vst v3  }
0x3a: {  	v58 =	vld.idx.msk [tilespmem:v0+s19+$0xFFFFFFD0 ss:$0x1], $0xffff;
	[tilespmem:s20+$0x0] =	vst v1  }
0x3b: {  	v59 =	vld.idx.msk [tilespmem:v0+s19+$0xFFFFFFE0 ss:$0x1], $0xffff;
	[tilespmem:s20+$0x10] =	vst v2  }
0x3c: {  	v60 =	vld.idx.msk [tilespmem:v0+s19+$0xFFFFFFF0 ss:$0x1], $0xffff;
	s31 =	sadd.s32 $0x400, s20;
	[tilespmem:s20+$0x20] =	vst v6  }
0x3d: {  	v61 =	vld.idx.msk [tilespmem:v0+s19+$0x0 ss:$0x1], $0xffff;
	[tilespmem:s31+$0x30] =	vst v56  }
0x3e: {  	v62 =	vld.idx.msk [tilespmem:v0+s19+$0x10 ss:$0x1], $0xffff;
	s18 =	sadd.s32 $0x1, s18;
	[tilespmem:s31+$0xFFFFFFC0] =	vst v57  }
0x3f: {  	v63 =	vld.idx.msk [tilespmem:v0+s19+$0x20 ss:$0x1], $0xffff;
	p1 =	sne.s32 s18, $0x8;
	[tilespmem:s31+$0xFFFFFFD0] =	vst v58  }
.Ltmp4:
0x40: {  	[tilespmem:s31+$0xFFFFFFE0] =	vst v59;
	(pc) =	sbr.rel @p1 .LBB1_4-.Ltmp4, $4  }
0x41: {  	[tilespmem:s31+$0xFFFFFFF0] =	vst v60  }
0x42: {  	[tilespmem:s31+$0x0] =	vst v61  }
0x43: {  	[tilespmem:s31+$0x10] =	vst v62  }
0x44: {  	s16 =	sadd.s32 $0x80, s16;
	s17 =	sadd.s32 $0x400, s17;
	[tilespmem:s31+$0x20] =	vst v63  }
.Ltmp5:
0x45: {  	(pc) =	sbr.rel @p0 .LBB1_3-.Ltmp5, $2  }
0x46: {  	_ =	sdelay $0x2  }
0x47: {  	s16 =	simm.s32 $0x2000;
	p1 =	por $0x0, $0x0  }
.Ltmp6:
0x48: {  	(pc) =	sbr.rel .LBB1_9-.Ltmp6, $4  }
0x49: {  	_ = 	snop  }
0x4a: {  	s12 =	sshll.u32 s12, $0xA  }
0x4b: {  	s12 =	sadd.s32 s4, s12  }
0x4c: {  	[hbm4b:s12+s8] =	stream.linear.scatter [tilespmem:s13], [sflag:$0x2], $0x4000, $0x38;
	[tilespmem:$0x10000] =	vst v63  }
.LBB1_10:
0x4d: {  	_ =	sfence.sel $0x180000  }
0x4e: {  	s2 =	simm.s32 $0x1;
	[bflag:$0x0] =	sbarrier.arrive $0xFFFF  }
0x4f: {  	s31 =	simm.s32 $0x2;
	[sflag:s2] =	ssyncpa.u1 $0x1  }
0x50: {  	[sflag:s31] =	ssyncpa.u1 $0x1  }
0x51: {  	p0 =	sne.s32 s0, $0x0;
	_ =	strace $0x90000047  }
0x52: {  	s0 =	sadd.s32 @!p0 $0x100000, s1;
	[bflag:$0x2] =	sbarrier.arrive $0xFFFF  }
0x53: {  	[sflag:s0] =	ssyncadd.tile.s32 @!p0 $0x1;
	_ =	shalt  }
.Lfunc_end1:
_tile_overlayer_lowered:
.L_overlay_start_2:
0x54: {  	(tag) =	ssettag $0x2  }
0x55: {  	s0 =	rddreg [dreg:$0x0];
	s2 =	stileid.u32  }
0x56: {  	s1 =	rddreg [dreg:$0x1];
	p0 =	sne.s32 s2, $0x0  }
0x57: {  	s3 =	rddreg [dreg:$0x2];
	[bflag:$0x3] =	sbarrier.arrive $0xFFFF;
	s2 =	simm.s32 @!p0 $0x1C01  }
0x58: {  	[timem:s3], [sflag:s2] =	dma.local @!p0 [hbm:s0], s1  }
0x59: {  	s0 =	simm.s32 @!p0 $0x1  }
0x5a: {  	_ =	swait.ge @!p0 [sflag:s0], s1  }
0x5b: {  	s1 =	ssub.s32 @!p0 $0x0, s1;
	[sflag:s0] =	ssyncset.done @!p0 $0x0  }
0x5c: {  	[sflag:s0] =	ssyncadd.s32 @!p0 s1  }
0x5d: {  	[bflag:$0x3] =	sbarrier.arrive $0xFFFF  }
0x5e: {  	_ =	shalt  }

</sc_bundles>
